<compile_context>
chip_gen: v7x
topology: tpu7x:2x2x1
jax: 0.10.2.dev20260603
libtpu: 0.0.44.dev20260713+nightly
codegen_flags: <defaults>
</compile_context>

<pallas_src>
import functools

import jax
import jax.numpy as jnp
from jax import lax
from jax.experimental import pallas as pl
from jax.experimental.pallas import tpu as pltpu
from jax.experimental.pallas import tpu_sc as plsc

NUM_CHAMPS = 164
NUM_ROLES = 6
CHAMP_DIM = 32
PAIRS = NUM_CHAMPS * NUM_ROLES
OUT = 10
NC, NS = 2, 16
NW = NC * NS

ROWS = 8
COLS = 512


def _pair_table_body(ctT, rtT, w1T, b1r, w2T, b2r, out):
    w1 = w1T[...]
    cpT = jnp.dot(w1[:, :CHAMP_DIM], ctT[...],
                  preferred_element_type=jnp.float32)
    rpT = jnp.dot(w1[:, CHAMP_DIM:], rtT[...],
                  preferred_element_type=jnp.float32)
    pc = lax.broadcasted_iota(jnp.int32, (NUM_CHAMPS, PAIRS), 1) // NUM_ROLES
    ec = (pc == lax.broadcasted_iota(jnp.int32, (NUM_CHAMPS, PAIRS), 0)).astype(jnp.float32)
    pr = lax.broadcasted_iota(jnp.int32, (NUM_ROLES, PAIRS), 1) % NUM_ROLES
    er = (pr == lax.broadcasted_iota(jnp.int32, (NUM_ROLES, PAIRS), 0)).astype(jnp.float32)
    hT = jnp.maximum(
        jnp.dot(cpT, ec, preferred_element_type=jnp.float32)
        + jnp.dot(rpT, er, preferred_element_type=jnp.float32)
        + b1r[...].T,
        0.0,
    )
    out[...] = (jnp.dot(w2T[...], hT, preferred_element_type=jnp.float32)
                + b2r[...].T)


def _build_pair_table(champ_table, role_table, W1, b1, W2, b2):
    ctT = jnp.swapaxes(champ_table, 0, 1)
    rtT = jnp.swapaxes(role_table, 0, 1)
    W1T = jnp.swapaxes(W1, 0, 1)
    w2T = jnp.swapaxes(W2, 0, 1)
    return pl.pallas_call(
        _pair_table_body,
        out_shape=jax.ShapeDtypeStruct((OUT, PAIRS), jnp.float32),
    )(ctT, rtT, W1T, b1.reshape(1, -1), w2T, b2.reshape(1, -1))


def _gather_body(chunks_per_w, col_blocks, table_hbm, champ_hbm, role_hbm,
                 out_hbm, table_v, cbuf, rbuf, obuf, csem, rsem, osem):
    wid = lax.axis_index("s") * NC + lax.axis_index("c")

    def splat(x):
        return jnp.full((16,), x, jnp.int32)

    def offsets(i):
        t = wid * chunks_per_w + i
        lb = t // col_blocks
        bb = t - lb * col_blocks
        return lb * ROWS, bb * COLS

    def in_copies(i, slot):
        l0, b0 = offsets(i)
        src = lambda ref: ref.at[pl.ds(l0, ROWS), pl.ds(b0, COLS)]
        return (
            pltpu.make_async_copy(src(champ_hbm), cbuf.at[slot], csem.at[slot]),
            pltpu.make_async_copy(src(role_hbm), rbuf.at[slot], rsem.at[slot]),
        )

    def out_copy(i, slot):
        l0, b0 = offsets(i)
        return pltpu.make_async_copy(
            obuf.at[slot], out_hbm.at[:, pl.ds(l0, ROWS), pl.ds(b0, COLS)],
            osem.at[slot])

    for cp in in_copies(0, 0):
        cp.start()
    pltpu.sync_copy(table_hbm, table_v)

    def chunk_body(i, _):
        slot = lax.rem(i, 2)
        nxt = 1 - slot

        @pl.when(i + 1 < chunks_per_w)
        def _():
            for cp in in_copies(i + 1, nxt):
                cp.start()

        for cp in in_copies(i, slot):
            cp.wait()

        @pl.when(i >= 2)
        def _():
            out_copy(i - 2, slot).wait()

        def row_body(r, _):
            @plsc.parallel_loop(0, COLS // 16, unroll=8)
            def grp_body(g):
                c = cbuf[slot, r, pl.ds(g * 16, 16)]
                rr = rbuf[slot, r, pl.ds(g * 16, 16)]
                idx = c * splat(NUM_ROLES) + rr
                for d in range(OUT):
                    v = plsc.load_gather(table_v, [idx + splat(d * PAIRS)])
                    obuf[slot, d, r, pl.ds(g * 16, 16)] = v

            return 0

        lax.fori_loop(0, ROWS, row_body, 0)
        out_copy(i, slot).start()
        return 0

    lax.fori_loop(0, chunks_per_w, chunk_body, 0)
    out_copy(chunks_per_w - 2, lax.rem(chunks_per_w - 2, 2)).wait()
    out_copy(chunks_per_w - 1, lax.rem(chunks_per_w - 1, 2)).wait()


@functools.cache
def _make_gather(batch, seq_len):
    n_chunks = (seq_len // ROWS) * (batch // COLS)
    assert n_chunks % NW == 0
    chunks_per_w = n_chunks // NW
    assert chunks_per_w >= 2
    col_blocks = batch // COLS
    mesh = plsc.VectorSubcoreMesh(core_axis_name="c", subcore_axis_name="s")
    return pl.kernel(
        functools.partial(_gather_body, chunks_per_w, col_blocks),
        out_type=jax.ShapeDtypeStruct((OUT, seq_len, batch), jnp.float32),
        mesh=mesh,
        compiler_params=pltpu.CompilerParams(needs_layout_passes=False),
        scratch_types=[
            pltpu.VMEM((PAIRS * OUT,), jnp.float32),
            pltpu.VMEM((2, ROWS, COLS), jnp.int32),
            pltpu.VMEM((2, ROWS, COLS), jnp.int32),
            pltpu.VMEM((2, OUT, ROWS, COLS), jnp.float32),
            pltpu.SemaphoreType.DMA((2,)),
            pltpu.SemaphoreType.DMA((2,)),
            pltpu.SemaphoreType.DMA((2,)),
        ],
    )


def kernel(champions, roles, champ_table, role_table, W1, b1, W2, b2):
    B, L = champions.shape
    pair_table = _build_pair_table(champ_table, role_table, W1, b1, W2, b2)
    gather = _make_gather(B, L)
    out_t = gather(pair_table.reshape(-1), jnp.swapaxes(champions, 0, 1),
                   jnp.swapaxes(roles, 0, 1))
    return jnp.transpose(out_t, (2, 1, 0))

# --- scband reference (transcript-rebuilt; emitter-appended) ---
"""Pipeline reference for scband-set-element-process-network-10711648436610 (READ-ONLY COPY).

The authoritative reference and input builder live on the scoring server;
editing this copy changes nothing except your own understanding.
"""

import jax, jax.numpy as jnp
import numpy as np

numChamps = 163
numRoles = 5
CHAMP_DIM = 32
ROLE_DIM = 3
HALF = (CHAMP_DIM + ROLE_DIM) // 2  # 17
OUT = 10


def setup_inputs(seed: int = 0) -> dict:
    key = jax.random.key(seed)
    ks = jax.random.split(key, 8)
    B, L = 16384, 200
    champions = jax.random.randint(ks[0], (B, L), 0, numChamps + 1, dtype=jnp.int64 if jax.config.jax_enable_x64 else jnp.int32).astype(jnp.int32)
    roles = jax.random.randint(ks[1], (B, L), 0, numRoles + 1).astype(jnp.int32)
    champ_table = jax.random.normal(ks[2], (numChamps + 1, CHAMP_DIM), dtype=jnp.float32)
    role_table = jax.random.normal(ks[3], (numRoles + 1, ROLE_DIM), dtype=jnp.float32)
    IN = CHAMP_DIM + ROLE_DIM
    W1 = jax.random.normal(ks[4], (IN, HALF), dtype=jnp.float32) * (1.0 / np.sqrt(IN))
    b1 = jax.random.normal(ks[5], (HALF,), dtype=jnp.float32) * 0.01
    W2 = jax.random.normal(ks[6], (HALF, OUT), dtype=jnp.float32) * (1.0 / np.sqrt(HALF))
    b2 = jax.random.normal(ks[7], (OUT,), dtype=jnp.float32) * 0.01
    return {"champions": champions, "roles": roles, "champ_table": champ_table,
            "role_table": role_table, "W1": W1, "b1": b1, "W2": W2, "b2": b2}


def reference(champions, roles, champ_table, role_table, W1, b1, W2, b2):
    # embedding lookups (gather rows)
    champ_emb = jnp.take(champ_table, champions, axis=0)   # [B, L, 32]
    role_emb = jnp.take(role_table, roles, axis=0)         # [B, L, 3]
    combined = jnp.concatenate((champ_emb, role_emb), axis=2)  # [B, L, 35]
    h = jnp.maximum(combined @ W1 + b1, 0.0)               # ReLU
    out = h @ W2 + b2                                      # [B, L, 10]
    return out

if __name__ == "__main__":
    import jax
    _d = setup_inputs()
    print(jax.jit(kernel)(*tuple(_d.values())))

</pallas_src>

<mosaic_0001>
#map = affine_map<(d0, d1) -> (0)>
#map1 = affine_map<(d0, d1) -> (0, 0)>
#map2 = affine_map<(d0, d1) -> (0, 0, 0)>
module attributes {stable_mosaic.version = 14 : i64} {
  func.func @_gather_body(%arg0: i32, %arg1: i32, %arg2: memref<9840xf32, #tpu.memory_space<hbm>>, %arg3: memref<200x16384xi32, #tpu.memory_space<hbm>>, %arg4: memref<200x16384xi32, #tpu.memory_space<hbm>>, %arg5: memref<10x200x16384xf32, #tpu.memory_space<hbm>>, %arg6: memref<9840xf32, #tpu.memory_space<vmem>>, %arg7: memref<2x8x512xi32, #tpu.memory_space<vmem>>, %arg8: memref<2x8x512xi32, #tpu.memory_space<vmem>>, %arg9: memref<2x10x8x512xf32, #tpu.memory_space<vmem>>, %arg10: memref<2x!tpu.dma_semaphore, #tpu.memory_space<semaphore_mem>>, %arg11: memref<2x!tpu.dma_semaphore, #tpu.memory_space<semaphore_mem>>, %arg12: memref<2x!tpu.dma_semaphore, #tpu.memory_space<semaphore_mem>>) attributes {dimension_semantics = [#tpu.dimension_semantics<core_parallel>, #tpu.dimension_semantics<subcore_parallel>], iteration_bounds = array<i64: 2, 16>, scalar_prefetch = 0 : i64, scratch_operands = 7 : i64, tpu.core_type = #tpu.core_type<sc_vector_subcore>, window_params = [{transform_indices = #map}, {transform_indices = #map1}, {transform_indices = #map1}, {transform_indices = #map2}]} {
    %mul3A = arith.constant 2 : i32
    %mul3A_0 = arith.muli %arg1, %mul3A : i32
    %add3A = arith.addi %mul3A_0, %arg0 : i32
    %mul3A_1 = arith.constant 25 : i32
    %mul3A_2 = arith.muli %add3A, %mul3A_1 : i32
    %add3A_3 = arith.constant 0 : i32
    %add3A_4 = arith.addi %mul3A_2, %add3A_3 : i32
    %jit3A = arith.constant 32 : i32
    %div3A = arith.divsi %add3A_4, %jit3A : i32
    %sign3A = arith.constant 0 : i32
    %sign3A_5 = arith.cmpi sgt, %add3A_4, %sign3A : i32
    %sign3A_6 = arith.extui %sign3A_5 : i1 to i32
    %sign3A_7 = arith.constant 0 : i32
    %sign3A_8 = arith.cmpi slt, %add3A_4, %sign3A_7 : i32
    %sign3A_9 = arith.extui %sign3A_8 : i1 to i32
    %sign3A_10 = arith.subi %sign3A_6, %sign3A_9 : i32
    %sign3A_11 = arith.constant 0 : i32
    %sign3A_12 = arith.cmpi sgt, %jit3A, %sign3A_11 : i32
    %sign3A_13 = arith.extui %sign3A_12 : i1 to i32
    %sign3A_14 = arith.constant 0 : i32
    %sign3A_15 = arith.cmpi slt, %jit3A, %sign3A_14 : i32
    %sign3A_16 = arith.extui %sign3A_15 : i1 to i32
    %sign3A_17 = arith.subi %sign3A_13, %sign3A_16 : i32
    %ne3A = arith.cmpi ne, %sign3A_10, %sign3A_17 : i32
    %rem3A = arith.remsi %add3A_4, %jit3A : i32
    %ne3A_18 = arith.constant 0 : i32
    %ne3A_19 = arith.cmpi ne, %rem3A, %ne3A_18 : i32
    %and3A = arith.andi %ne3A, %ne3A_19 : i1
    %sub3A = arith.constant 1 : i32
    %sub3A_20 = arith.subi %div3A, %sub3A : i32
    %select_n3A = arith.select %and3A, %sub3A_20, %div3A : i32
    %mul3A_21 = arith.constant 32 : i32
    %mul3A_22 = arith.muli %select_n3A, %mul3A_21 : i32
    %sub3A_23 = arith.subi %add3A_4, %mul3A_22 : i32
    %mul3A_24 = arith.constant 8 : i32
    %mul3A_25 = arith.muli %select_n3A, %mul3A_24 : i32
    %mul3A_26 = arith.constant 512 : i32
    %mul3A_27 = arith.muli %sub3A_23, %mul3A_26 : i32
    %dma_start3A = arith.constant 0 : i32
    %dma_start3A_28 = arith.constant 0 : i32
    %dma_start3A_29 = arith.constant 0 : i32
    %dma_start3A_30 = arith.constant 0 : i32
    %dma_start3A_31 = tpu.memref_slice %arg7[%dma_start3A, %dma_start3A_29, %dma_start3A_30] : memref<2x8x512xi32, #tpu.memory_space<vmem>> -> memref<1x8x512xi32, #tpu.memory_space<vmem>>
    %dma_start3A_32 = tpu.memref_squeeze %dma_start3A_31 : memref<1x8x512xi32, #tpu.memory_space<vmem>> -> memref<8x512xi32, #tpu.memory_space<vmem>>
    %dma_start3A_33 = tpu.memref_slice %arg3[%mul3A_25, %mul3A_27] : memref<200x16384xi32, #tpu.memory_space<hbm>> -> memref<8x512xi32, #tpu.memory_space<hbm>>
    %dma_start3A_34 = tpu.memref_slice %arg10[%dma_start3A_28] : memref<2x!tpu.dma_semaphore, #tpu.memory_space<semaphore_mem>> -> memref<1x!tpu.dma_semaphore, #tpu.memory_space<semaphore_mem>>
    %dma_start3A_35 = tpu.memref_squeeze %dma_start3A_34 : memref<1x!tpu.dma_semaphore, #tpu.memory_space<semaphore_mem>> -> memref<!tpu.dma_semaphore, #tpu.memory_space<semaphore_mem>>
    %dma_start3A_36 = arith.constant 0 : i32
    %dma_start3A_37 = arith.constant 0 : i32
    %dma_start3A_38 = tpu.memref_slice %arg7[%dma_start3A, %dma_start3A_36, %dma_start3A_37] : memref<2x8x512xi32, #tpu.memory_space<vmem>> -> memref<1x8x512xi32, #tpu.memory_space<vmem>>
    %dma_start3A_39 = tpu.memref_squeeze %dma_start3A_38 : memref<1x8x512xi32, #tpu.memory_space<vmem>> -> memref<8x512xi32, #tpu.memory_space<vmem>>
    %dma_start3A_40 = tpu.memref_slice %arg3[%mul3A_25, %mul3A_27] : memref<200x16384xi32, #tpu.memory_space<hbm>> -> memref<8x512xi32, #tpu.memory_space<hbm>>
    tpu.enqueue_dma source(%dma_start3A_40 : memref<8x512xi32, #tpu.memory_space<hbm>>) target(%dma_start3A_39 : memref<8x512xi32, #tpu.memory_space<vmem>>) target_semaphore(%dma_start3A_35 : memref<!tpu.dma_semaphore, #tpu.memory_space<semaphore_mem>>)
    %dma_start3A_41 = arith.constant 0 : i32
    %dma_start3A_42 = arith.constant 0 : i32
    %dma_start3A_43 = arith.constant 0 : i32
    %dma_start3A_44 = arith.constant 0 : i32
    %dma_start3A_45 = tpu.memref_slice %arg8[%dma_start3A_41, %dma_start3A_43, %dma_start3A_44] : memref<2x8x512xi32, #tpu.memory_space<vmem>> -> memref<1x8x512xi32, #tpu.memory_space<vmem>>
    %dma_start3A_46 = tpu.memref_squeeze %dma_start3A_45 : memref<1x8x512xi32, #tpu.memory_space<vmem>> -> memref<8x512xi32, #tpu.memory_space<vmem>>
    %dma_start3A_47 = tpu.memref_slice %arg4[%mul3A_25, %mul3A_27] : memref<200x16384xi32, #tpu.memory_space<hbm>> -> memref<8x512xi32, #tpu.memory_space<hbm>>
    %dma_start3A_48 = tpu.memref_slice %arg11[%dma_start3A_42] : memref<2x!tpu.dma_semaphore, #tpu.memory_space<semaphore_mem>> -> memref<1x!tpu.dma_semaphore, #tpu.memory_space<semaphore_mem>>
    %dma_start3A_49 = tpu.memref_squeeze %dma_start3A_48 : memref<1x!tpu.dma_semaphore, #tpu.memory_space<semaphore_mem>> -> memref<!tpu.dma_semaphore, #tpu.memory_space<semaphore_mem>>
    %dma_start3A_50 = arith.constant 0 : i32
    %dma_start3A_51 = arith.constant 0 : i32
    %dma_start3A_52 = tpu.memref_slice %arg8[%dma_start3A_41, %dma_start3A_50, %dma_start3A_51] : memref<2x8x512xi32, #tpu.memory_space<vmem>> -> memref<1x8x512xi32, #tpu.memory_space<vmem>>
    %dma_start3A_53 = tpu.memref_squeeze %dma_start3A_52 : memref<1x8x512xi32, #tpu.memory_space<vmem>> -> memref<8x512xi32, #tpu.memory_space<vmem>>
    %dma_start3A_54 = tpu.memref_slice %arg4[%mul3A_25, %mul3A_27] : memref<200x16384xi32, #tpu.memory_space<hbm>> -> memref<8x512xi32, #tpu.memory_space<hbm>>
    tpu.enqueue_dma source(%dma_start3A_54 : memref<8x512xi32, #tpu.memory_space<hbm>>) target(%dma_start3A_53 : memref<8x512xi32, #tpu.memory_space<vmem>>) target_semaphore(%dma_start3A_49 : memref<!tpu.dma_semaphore, #tpu.memory_space<semaphore_mem>>)
    "tpu.region"() ({
      %run_scoped3A = tpu.sem_alloc : memref<!tpu.dma_semaphore, #tpu.memory_space<semaphore_mem>>
      tpu.enqueue_dma source(%arg2 : memref<9840xf32, #tpu.memory_space<hbm>>) target(%arg6 : memref<9840xf32, #tpu.memory_space<vmem>>) target_semaphore(%run_scoped3A : memref<!tpu.dma_semaphore, #tpu.memory_space<semaphore_mem>>)
      tpu.wait_dma2 semaphore(%run_scoped3A : memref<!tpu.dma_semaphore, #tpu.memory_space<semaphore_mem>>) src(%arg2 : memref<9840xf32, #tpu.memory_space<hbm>>) dst(%arg6 : memref<9840xf32, #tpu.memory_space<vmem>>)
      tpu.yield
    }) : () -> ()
    %scan3A = arith.constant 0 : i32
    %scan3A_55 = arith.constant 0 : i32
    %scan3A_56 = arith.constant 25 : i32
    %scan3A_57 = arith.addi %scan3A_55, %scan3A_56 : i32
    %scan3A_58 = arith.constant 1 : i32
    %scan3A_59 = scf.for %scan3A_168 = %scan3A_55 to %scan3A_57 step %scan3A_58 iter_args(%scan3A_169 = %scan3A) -> (i32)  : i32 {
      %rem3A_170 = arith.constant 2 : i32
      %rem3A_171 = arith.remsi %scan3A_168, %rem3A_170 : i32
      %sub3A_172 = arith.constant 1 : i32
      %sub3A_173 = arith.subi %sub3A_172, %rem3A_171 : i32
      %add3A_174 = arith.constant 1 : i32
      %add3A_175 = arith.addi %scan3A_168, %add3A_174 : i32
      %lt3A = arith.constant 25 : i32
      %lt3A_176 = arith.cmpi slt, %add3A_175, %lt3A : i32
      %convert_element_type3A = arith.extui %lt3A_176 : i1 to i32
      %cond3A = arith.constant 0 : i32
      %cond3A_177 = arith.cmpi ne, %convert_element_type3A, %cond3A : i32
      scf.if %cond3A_177 {
        %add3A_298 = arith.constant 1 : i32
        %add3A_299 = arith.addi %scan3A_168, %add3A_298 : i32
        %mul3A_300 = arith.constant 25 : i32
        %mul3A_301 = arith.muli %add3A, %mul3A_300 : i32
        %add3A_302 = arith.addi %mul3A_301, %add3A_299 : i32
        %jit3A_303 = arith.constant 32 : i32
        %div3A_304 = arith.divsi %add3A_302, %jit3A_303 : i32
        %sign3A_305 = arith.constant 0 : i32
        %sign3A_306 = arith.cmpi sgt, %add3A_302, %sign3A_305 : i32
        %sign3A_307 = arith.extui %sign3A_306 : i1 to i32
        %sign3A_308 = arith.constant 0 : i32
        %sign3A_309 = arith.cmpi slt, %add3A_302, %sign3A_308 : i32
        %sign3A_310 = arith.extui %sign3A_309 : i1 to i32
        %sign3A_311 = arith.subi %sign3A_307, %sign3A_310 : i32
        %sign3A_312 = arith.constant 0 : i32
        %sign3A_313 = arith.cmpi sgt, %jit3A_303, %sign3A_312 : i32
        %sign3A_314 = arith.extui %sign3A_313 : i1 to i32
        %sign3A_315 = arith.constant 0 : i32
        %sign3A_316 = arith.cmpi slt, %jit3A_303, %sign3A_315 : i32
        %sign3A_317 = arith.extui %sign3A_316 : i1 to i32
        %sign3A_318 = arith.subi %sign3A_314, %sign3A_317 : i32
        %ne3A_319 = arith.cmpi ne, %sign3A_311, %sign3A_318 : i32
        %rem3A_320 = arith.remsi %add3A_302, %jit3A_303 : i32
        %ne3A_321 = arith.constant 0 : i32
        %ne3A_322 = arith.cmpi ne, %rem3A_320, %ne3A_321 : i32
        %and3A_323 = arith.andi %ne3A_319, %ne3A_322 : i1
        %sub3A_324 = arith.constant 1 : i32
        %sub3A_325 = arith.subi %div3A_304, %sub3A_324 : i32
        %select_n3A_326 = arith.select %and3A_323, %sub3A_325, %div3A_304 : i32
        %mul3A_327 = arith.constant 32 : i32
        %mul3A_328 = arith.muli %select_n3A_326, %mul3A_327 : i32
        %sub3A_329 = arith.subi %add3A_302, %mul3A_328 : i32
        %mul3A_330 = arith.constant 8 : i32
        %mul3A_331 = arith.muli %select_n3A_326, %mul3A_330 : i32
        %mul3A_332 = arith.constant 512 : i32
        %mul3A_333 = arith.muli %sub3A_329, %mul3A_332 : i32
        %dma_start3A_334 = arith.constant 0 : i32
        %dma_start3A_335 = arith.constant 0 : i32
        %dma_start3A_336 = tpu.memref_slice %arg7[%sub3A_173, %dma_start3A_334, %dma_start3A_335] : memref<2x8x512xi32, #tpu.memory_space<vmem>> -> memref<1x8x512xi32, #tpu.memory_space<vmem>>
        %dma_start3A_337 = tpu.memref_squeeze %dma_start3A_336 : memref<1x8x512xi32, #tpu.memory_space<vmem>> -> memref<8x512xi32, #tpu.memory_space<vmem>>
        %dma_start3A_338 = tpu.memref_slice %arg3[%mul3A_331, %mul3A_333] : memref<200x16384xi32, #tpu.memory_space<hbm>> -> memref<8x512xi32, #tpu.memory_space<hbm>>
        %dma_start3A_339 = tpu.memref_slice %arg10[%sub3A_173] : memref<2x!tpu.dma_semaphore, #tpu.memory_space<semaphore_mem>> -> memref<1x!tpu.dma_semaphore, #tpu.memory_space<semaphore_mem>>
        %dma_start3A_340 = tpu.memref_squeeze %dma_start3A_339 : memref<1x!tpu.dma_semaphore, #tpu.memory_space<semaphore_mem>> -> memref<!tpu.dma_semaphore, #tpu.memory_space<semaphore_mem>>
        %dma_start3A_341 = arith.constant 0 : i32
        %dma_start3A_342 = arith.constant 0 : i32
        %dma_start3A_343 = tpu.memref_slice %arg7[%sub3A_173, %dma_start3A_341, %dma_start3A_342] : memref<2x8x512xi32, #tpu.memory_space<vmem>> -> memref<1x8x512xi32, #tpu.memory_space<vmem>>
        %dma_start3A_344 = tpu.memref_squeeze %dma_start3A_343 : memref<1x8x512xi32, #tpu.memory_space<vmem>> -> memref<8x512xi32, #tpu.memory_space<vmem>>
        %dma_start3A_345 = tpu.memref_slice %arg3[%mul3A_331, %mul3A_333] : memref<200x16384xi32, #tpu.memory_space<hbm>> -> memref<8x512xi32, #tpu.memory_space<hbm>>
        tpu.enqueue_dma source(%dma_start3A_345 : memref<8x512xi32, #tpu.memory_space<hbm>>) target(%dma_start3A_344 : memref<8x512xi32, #tpu.memory_space<vmem>>) target_semaphore(%dma_start3A_340 : memref<!tpu.dma_semaphore, #tpu.memory_space<semaphore_mem>>)
        %dma_start3A_346 = arith.constant 0 : i32
        %dma_start3A_347 = arith.constant 0 : i32
        %dma_start3A_348 = tpu.memref_slice %arg8[%sub3A_173, %dma_start3A_346, %dma_start3A_347] : memref<2x8x512xi32, #tpu.memory_space<vmem>> -> memref<1x8x512xi32, #tpu.memory_space<vmem>>
        %dma_start3A_349 = tpu.memref_squeeze %dma_start3A_348 : memref<1x8x512xi32, #tpu.memory_space<vmem>> -> memref<8x512xi32, #tpu.memory_space<vmem>>
        %dma_start3A_350 = tpu.memref_slice %arg4[%mul3A_331, %mul3A_333] : memref<200x16384xi32, #tpu.memory_space<hbm>> -> memref<8x512xi32, #tpu.memory_space<hbm>>
        %dma_start3A_351 = tpu.memref_slice %arg11[%sub3A_173] : memref<2x!tpu.dma_semaphore, #tpu.memory_space<semaphore_mem>> -> memref<1x!tpu.dma_semaphore, #tpu.memory_space<semaphore_mem>>
        %dma_start3A_352 = tpu.memref_squeeze %dma_start3A_351 : memref<1x!tpu.dma_semaphore, #tpu.memory_space<semaphore_mem>> -> memref<!tpu.dma_semaphore, #tpu.memory_space<semaphore_mem>>
        %dma_start3A_353 = arith.constant 0 : i32
        %dma_start3A_354 = arith.constant 0 : i32
        %dma_start3A_355 = tpu.memref_slice %arg8[%sub3A_173, %dma_start3A_353, %dma_start3A_354] : memref<2x8x512xi32, #tpu.memory_space<vmem>> -> memref<1x8x512xi32, #tpu.memory_space<vmem>>
        %dma_start3A_356 = tpu.memref_squeeze %dma_start3A_355 : memref<1x8x512xi32, #tpu.memory_space<vmem>> -> memref<8x512xi32, #tpu.memory_space<vmem>>
        %dma_start3A_357 = tpu.memref_slice %arg4[%mul3A_331, %mul3A_333] : memref<200x16384xi32, #tpu.memory_space<hbm>> -> memref<8x512xi32, #tpu.memory_space<hbm>>
        tpu.enqueue_dma source(%dma_start3A_357 : memref<8x512xi32, #tpu.memory_space<hbm>>) target(%dma_start3A_356 : memref<8x512xi32, #tpu.memory_space<vmem>>) target_semaphore(%dma_start3A_352 : memref<!tpu.dma_semaphore, #tpu.memory_space<semaphore_mem>>)
      } else {
      }
      %mul3A_178 = arith.constant 25 : i32
      %mul3A_179 = arith.muli %add3A, %mul3A_178 : i32
      %add3A_180 = arith.addi %mul3A_179, %scan3A_168 : i32
      %jit3A_181 = arith.constant 32 : i32
      %div3A_182 = arith.divsi %add3A_180, %jit3A_181 : i32
      %sign3A_183 = arith.constant 0 : i32
      %sign3A_184 = arith.cmpi sgt, %add3A_180, %sign3A_183 : i32
      %sign3A_185 = arith.extui %sign3A_184 : i1 to i32
      %sign3A_186 = arith.constant 0 : i32
      %sign3A_187 = arith.cmpi slt, %add3A_180, %sign3A_186 : i32
      %sign3A_188 = arith.extui %sign3A_187 : i1 to i32
      %sign3A_189 = arith.subi %sign3A_185, %sign3A_188 : i32
      %sign3A_190 = arith.constant 0 : i32
      %sign3A_191 = arith.cmpi sgt, %jit3A_181, %sign3A_190 : i32
      %sign3A_192 = arith.extui %sign3A_191 : i1 to i32
      %sign3A_193 = arith.constant 0 : i32
      %sign3A_194 = arith.cmpi slt, %jit3A_181, %sign3A_193 : i32
      %sign3A_195 = arith.extui %sign3A_194 : i1 to i32
      %sign3A_196 = arith.subi %sign3A_192, %sign3A_195 : i32
      %ne3A_197 = arith.cmpi ne, %sign3A_189, %sign3A_196 : i32
      %rem3A_198 = arith.remsi %add3A_180, %jit3A_181 : i32
      %ne3A_199 = arith.constant 0 : i32
      %ne3A_200 = arith.cmpi ne, %rem3A_198, %ne3A_199 : i32
      %and3A_201 = arith.andi %ne3A_197, %ne3A_200 : i1
      %sub3A_202 = arith.constant 1 : i32
      %sub3A_203 = arith.subi %div3A_182, %sub3A_202 : i32
      %select_n3A_204 = arith.select %and3A_201, %sub3A_203, %div3A_182 : i32
      %mul3A_205 = arith.constant 32 : i32
      %mul3A_206 = arith.muli %select_n3A_204, %mul3A_205 : i32
      %sub3A_207 = arith.subi %add3A_180, %mul3A_206 : i32
      %mul3A_208 = arith.constant 8 : i32
      %mul3A_209 = arith.muli %select_n3A_204, %mul3A_208 : i32
      %mul3A_210 = arith.constant 512 : i32
      %mul3A_211 = arith.muli %sub3A_207, %mul3A_210 : i32
      %dma_wait3A_212 = arith.constant 0 : i32
      %dma_wait3A_213 = arith.constant 0 : i32
      %dma_wait3A_214 = tpu.memref_slice %arg7[%rem3A_171, %dma_wait3A_212, %dma_wait3A_213] : memref<2x8x512xi32, #tpu.memory_space<vmem>> -> memref<1x8x512xi32, #tpu.memory_space<vmem>>
      %dma_wait3A_215 = tpu.memref_squeeze %dma_wait3A_214 : memref<1x8x512xi32, #tpu.memory_space<vmem>> -> memref<8x512xi32, #tpu.memory_space<vmem>>
      %dma_wait3A_216 = tpu.memref_slice %arg3[%mul3A_209, %mul3A_211] : memref<200x16384xi32, #tpu.memory_space<hbm>> -> memref<8x512xi32, #tpu.memory_space<hbm>>
      %dma_wait3A_217 = tpu.memref_slice %arg10[%rem3A_171] : memref<2x!tpu.dma_semaphore, #tpu.memory_space<semaphore_mem>> -> memref<1x!tpu.dma_semaphore, #tpu.memory_space<semaphore_mem>>
      %dma_wait3A_218 = tpu.memref_squeeze %dma_wait3A_217 : memref<1x!tpu.dma_semaphore, #tpu.memory_space<semaphore_mem>> -> memref<!tpu.dma_semaphore, #tpu.memory_space<semaphore_mem>>
      %dma_wait3A_219 = arith.constant 0 : i32
      %dma_wait3A_220 = arith.constant 0 : i32
      %dma_wait3A_221 = tpu.memref_slice %arg7[%rem3A_171, %dma_wait3A_219, %dma_wait3A_220] : memref<2x8x512xi32, #tpu.memory_space<vmem>> -> memref<1x8x512xi32, #tpu.memory_space<vmem>>
      %dma_wait3A_222 = tpu.memref_squeeze %dma_wait3A_221 : memref<1x8x512xi32, #tpu.memory_space<vmem>> -> memref<8x512xi32, #tpu.memory_space<vmem>>
      %dma_wait3A_223 = tpu.memref_slice %arg3[%mul3A_209, %mul3A_211] : memref<200x16384xi32, #tpu.memory_space<hbm>> -> memref<8x512xi32, #tpu.memory_space<hbm>>
      tpu.wait_dma2 semaphore(%dma_wait3A_218 : memref<!tpu.dma_semaphore, #tpu.memory_space<semaphore_mem>>) src(%dma_wait3A_223 : memref<8x512xi32, #tpu.memory_space<hbm>>) dst(%dma_wait3A_222 : memref<8x512xi32, #tpu.memory_space<vmem>>)
      %dma_wait3A_224 = arith.constant 0 : i32
      %dma_wait3A_225 = arith.constant 0 : i32
      %dma_wait3A_226 = tpu.memref_slice %arg8[%rem3A_171, %dma_wait3A_224, %dma_wait3A_225] : memref<2x8x512xi32, #tpu.memory_space<vmem>> -> memref<1x8x512xi32, #tpu.memory_space<vmem>>
      %dma_wait3A_227 = tpu.memref_squeeze %dma_wait3A_226 : memref<1x8x512xi32, #tpu.memory_space<vmem>> -> memref<8x512xi32, #tpu.memory_space<vmem>>
      %dma_wait3A_228 = tpu.memref_slice %arg4[%mul3A_209, %mul3A_211] : memref<200x16384xi32, #tpu.memory_space<hbm>> -> memref<8x512xi32, #tpu.memory_space<hbm>>
      %dma_wait3A_229 = tpu.memref_slice %arg11[%rem3A_171] : memref<2x!tpu.dma_semaphore, #tpu.memory_space<semaphore_mem>> -> memref<1x!tpu.dma_semaphore, #tpu.memory_space<semaphore_mem>>
      %dma_wait3A_230 = tpu.memref_squeeze %dma_wait3A_229 : memref<1x!tpu.dma_semaphore, #tpu.memory_space<semaphore_mem>> -> memref<!tpu.dma_semaphore, #tpu.memory_space<semaphore_mem>>
      %dma_wait3A_231 = arith.constant 0 : i32
      %dma_wait3A_232 = arith.constant 0 : i32
      %dma_wait3A_233 = tpu.memref_slice %arg8[%rem3A_171, %dma_wait3A_231, %dma_wait3A_232] : memref<2x8x512xi32, #tpu.memory_space<vmem>> -> memref<1x8x512xi32, #tpu.memory_space<vmem>>
      %dma_wait3A_234 = tpu.memref_squeeze %dma_wait3A_233 : memref<1x8x512xi32, #tpu.memory_space<vmem>> -> memref<8x512xi32, #tpu.memory_space<vmem>>
      %dma_wait3A_235 = tpu.memref_slice %arg4[%mul3A_209, %mul3A_211] : memref<200x16384xi32, #tpu.memory_space<hbm>> -> memref<8x512xi32, #tpu.memory_space<hbm>>
      tpu.wait_dma2 semaphore(%dma_wait3A_230 : memref<!tpu.dma_semaphore, #tpu.memory_space<semaphore_mem>>) src(%dma_wait3A_235 : memref<8x512xi32, #tpu.memory_space<hbm>>) dst(%dma_wait3A_234 : memref<8x512xi32, #tpu.memory_space<vmem>>)
      %ge3A = arith.constant 2 : i32
      %ge3A_236 = arith.cmpi sge, %scan3A_168, %ge3A : i32
      %convert_element_type3A_237 = arith.extui %ge3A_236 : i1 to i32
      %cond3A_238 = arith.constant 0 : i32
      %cond3A_239 = arith.cmpi ne, %convert_element_type3A_237, %cond3A_238 : i32
      scf.if %cond3A_239 {
        %sub3A_298 = arith.constant 2 : i32
        %sub3A_299 = arith.subi %scan3A_168, %sub3A_298 : i32
        %mul3A_300 = arith.constant 25 : i32
        %mul3A_301 = arith.muli %add3A, %mul3A_300 : i32
        %add3A_302 = arith.addi %mul3A_301, %sub3A_299 : i32
        %jit3A_303 = arith.constant 32 : i32
        %div3A_304 = arith.divsi %add3A_302, %jit3A_303 : i32
        %sign3A_305 = arith.constant 0 : i32
        %sign3A_306 = arith.cmpi sgt, %add3A_302, %sign3A_305 : i32
        %sign3A_307 = arith.extui %sign3A_306 : i1 to i32
        %sign3A_308 = arith.constant 0 : i32
        %sign3A_309 = arith.cmpi slt, %add3A_302, %sign3A_308 : i32
        %sign3A_310 = arith.extui %sign3A_309 : i1 to i32
        %sign3A_311 = arith.subi %sign3A_307, %sign3A_310 : i32
        %sign3A_312 = arith.constant 0 : i32
        %sign3A_313 = arith.cmpi sgt, %jit3A_303, %sign3A_312 : i32
        %sign3A_314 = arith.extui %sign3A_313 : i1 to i32
        %sign3A_315 = arith.constant 0 : i32
        %sign3A_316 = arith.cmpi slt, %jit3A_303, %sign3A_315 : i32
        %sign3A_317 = arith.extui %sign3A_316 : i1 to i32
        %sign3A_318 = arith.subi %sign3A_314, %sign3A_317 : i32
        %ne3A_319 = arith.cmpi ne, %sign3A_311, %sign3A_318 : i32
        %rem3A_320 = arith.remsi %add3A_302, %jit3A_303 : i32
        %ne3A_321 = arith.constant 0 : i32
        %ne3A_322 = arith.cmpi ne, %rem3A_320, %ne3A_321 : i32
        %and3A_323 = arith.andi %ne3A_319, %ne3A_322 : i1
        %sub3A_324 = arith.constant 1 : i32
        %sub3A_325 = arith.subi %div3A_304, %sub3A_324 : i32
        %select_n3A_326 = arith.select %and3A_323, %sub3A_325, %div3A_304 : i32
        %mul3A_327 = arith.constant 32 : i32
        %mul3A_328 = arith.muli %select_n3A_326, %mul3A_327 : i32
        %sub3A_329 = arith.subi %add3A_302, %mul3A_328 : i32
        %mul3A_330 = arith.constant 8 : i32
        %mul3A_331 = arith.muli %select_n3A_326, %mul3A_330 : i32
        %mul3A_332 = arith.constant 512 : i32
        %mul3A_333 = arith.muli %sub3A_329, %mul3A_332 : i32
        %dma_wait3A_334 = arith.constant 0 : i32
        %dma_wait3A_335 = arith.constant 0 : i32
        %dma_wait3A_336 = arith.constant 0 : i32
        %dma_wait3A_337 = tpu.memref_slice %arg9[%rem3A_171, %dma_wait3A_334, %dma_wait3A_335, %dma_wait3A_336] : memref<2x10x8x512xf32, #tpu.memory_space<vmem>> -> memref<1x10x8x512xf32, #tpu.memory_space<vmem>>
        %dma_wait3A_338 = tpu.memref_squeeze %dma_wait3A_337 : memref<1x10x8x512xf32, #tpu.memory_space<vmem>> -> memref<10x8x512xf32, #tpu.memory_space<vmem>>
        %dma_wait3A_339 = arith.constant 0 : i32
        %dma_wait3A_340 = tpu.memref_slice %arg5[%dma_wait3A_339, %mul3A_331, %mul3A_333] : memref<10x200x16384xf32, #tpu.memory_space<hbm>> -> memref<10x8x512xf32, #tpu.memory_space<hbm>>
        %dma_wait3A_341 = tpu.memref_slice %arg12[%rem3A_171] : memref<2x!tpu.dma_semaphore, #tpu.memory_space<semaphore_mem>> -> memref<1x!tpu.dma_semaphore, #tpu.memory_space<semaphore_mem>>
        %dma_wait3A_342 = tpu.memref_squeeze %dma_wait3A_341 : memref<1x!tpu.dma_semaphore, #tpu.memory_space<semaphore_mem>> -> memref<!tpu.dma_semaphore, #tpu.memory_space<semaphore_mem>>
        %dma_wait3A_343 = arith.constant 0 : i32
        %dma_wait3A_344 = tpu.memref_slice %arg5[%dma_wait3A_343, %mul3A_331, %mul3A_333] : memref<10x200x16384xf32, #tpu.memory_space<hbm>> -> memref<10x8x512xf32, #tpu.memory_space<hbm>>
        %dma_wait3A_345 = arith.constant 0 : i32
        %dma_wait3A_346 = arith.constant 0 : i32
        %dma_wait3A_347 = arith.constant 0 : i32
        %dma_wait3A_348 = tpu.memref_slice %arg9[%rem3A_171, %dma_wait3A_345, %dma_wait3A_346, %dma_wait3A_347] : memref<2x10x8x512xf32, #tpu.memory_space<vmem>> -> memref<1x10x8x512xf32, #tpu.memory_space<vmem>>
        %dma_wait3A_349 = tpu.memref_squeeze %dma_wait3A_348 : memref<1x10x8x512xf32, #tpu.memory_space<vmem>> -> memref<10x8x512xf32, #tpu.memory_space<vmem>>
        tpu.wait_dma2 semaphore(%dma_wait3A_342 : memref<!tpu.dma_semaphore, #tpu.memory_space<semaphore_mem>>) src(%dma_wait3A_349 : memref<10x8x512xf32, #tpu.memory_space<vmem>>) dst(%dma_wait3A_344 : memref<10x8x512xf32, #tpu.memory_space<hbm>>)
      } else {
      }
      %scan3A_240 = arith.constant 0 : i32
      %scan3A_241 = arith.constant 0 : i32
      %scan3A_242 = arith.constant 8 : i32
      %scan3A_243 = arith.addi %scan3A_241, %scan3A_242 : i32
      %scan3A_244 = arith.constant 1 : i32
      %scan3A_245 = scf.for %scan3A_298 = %scan3A_241 to %scan3A_243 step %scan3A_244 iter_args(%scan3A_299 = %scan3A_240) -> (i32)  : i32 {
        %parallel_loop3A = arith.constant 0 : i32
        %parallel_loop3A_300 = arith.constant 32 : i32
        %parallel_loop3A_301 = arith.constant 1 : i32
        scf.for %parallel_loop3A_303 = %parallel_loop3A to %parallel_loop3A_300 step %parallel_loop3A_301  : i32 {
          %parallel_loop3A_304 = arith.constant 16 : i32
          %parallel_loop3A_305 = arith.muli %parallel_loop3A_303, %parallel_loop3A_304 : i32
          %parallel_loop3A_306 = arith.index_cast %rem3A_171 : i32 to index
          %parallel_loop3A_307 = arith.index_cast %scan3A_298 : i32 to index
          %parallel_loop3A_308 = arith.index_cast %parallel_loop3A_305 : i32 to index
          %parallel_loop3A_309 = tpu.vector_load %arg7[%parallel_loop3A_306, %parallel_loop3A_307, %parallel_loop3A_308] {strides = array<i32>} : memref<2x8x512xi32, #tpu.memory_space<vmem>>, vector<16xi32>,
          %parallel_loop3A_310 = arith.constant 16 : i32
          %parallel_loop3A_311 = arith.muli %parallel_loop3A_303, %parallel_loop3A_310 : i32
          %parallel_loop3A_312 = arith.index_cast %rem3A_171 : i32 to index
          %parallel_loop3A_313 = arith.index_cast %scan3A_298 : i32 to index
          %parallel_loop3A_314 = arith.index_cast %parallel_loop3A_311 : i32 to index
          %parallel_loop3A_315 = tpu.vector_load %arg8[%parallel_loop3A_312, %parallel_loop3A_313, %parallel_loop3A_314] {strides = array<i32>} : memref<2x8x512xi32, #tpu.memory_space<vmem>>, vector<16xi32>,
          %parallel_loop3A_316 = arith.constant 6 : i32
          %parallel_loop3A_317 = vector.broadcast %parallel_loop3A_316 : i32 to vector<16xi32>
          %parallel_loop3A_318 = arith.muli %parallel_loop3A_309, %parallel_loop3A_317 : vector<16xi32>
          %parallel_loop3A_319 = arith.addi %parallel_loop3A_318, %parallel_loop3A_315 : vector<16xi32>
          %parallel_loop3A_320 = arith.constant 0 : i32
          %parallel_loop3A_321 = vector.broadcast %parallel_loop3A_320 : i32 to vector<16xi32>
          %parallel_loop3A_322 = arith.addi %parallel_loop3A_319, %parallel_loop3A_321 : vector<16xi32>
          %parallel_loop3A_323 = tpu.vector_load_idx %arg6[%parallel_loop3A_322] : memref<9840xf32, #tpu.memory_space<vmem>>[vector<16xi32>], vector<16xf32>,
          %parallel_loop3A_324 = arith.constant 16 : i32
          %parallel_loop3A_325 = arith.muli %parallel_loop3A_303, %parallel_loop3A_324 : i32
          %parallel_loop3A_326 = arith.constant 0 : i32
          %parallel_loop3A_327 = arith.index_cast %rem3A_171 : i32 to index
          %parallel_loop3A_328 = arith.index_cast %parallel_loop3A_326 : i32 to index
          %parallel_loop3A_329 = arith.index_cast %scan3A_298 : i32 to index
          %parallel_loop3A_330 = arith.index_cast %parallel_loop3A_325 : i32 to index
          %parallel_loop3A_331 = tpu.vector_load %arg9[%parallel_loop3A_327, %parallel_loop3A_328, %parallel_loop3A_329, %parallel_loop3A_330] {strides = array<i32>} : memref<2x10x8x512xf32, #tpu.memory_space<vmem>>, vector<16xf32>,
          tpu.vector_store %arg9[%parallel_loop3A_327, %parallel_loop3A_328, %parallel_loop3A_329, %parallel_loop3A_330], %parallel_loop3A_323 {strides = array<i32>} : memref<2x10x8x512xf32, #tpu.memory_space<vmem>>, vector<16xf32>,
          %parallel_loop3A_332 = arith.constant 984 : i32
          %parallel_loop3A_333 = vector.broadcast %parallel_loop3A_332 : i32 to vector<16xi32>
          %parallel_loop3A_334 = arith.addi %parallel_loop3A_319, %parallel_loop3A_333 : vector<16xi32>
          %parallel_loop3A_335 = tpu.vector_load_idx %arg6[%parallel_loop3A_334] : memref<9840xf32, #tpu.memory_space<vmem>>[vector<16xi32>], vector<16xf32>,
          %parallel_loop3A_336 = arith.constant 16 : i32
          %parallel_loop3A_337 = arith.muli %parallel_loop3A_303, %parallel_loop3A_336 : i32
          %parallel_loop3A_338 = arith.constant 1 : i32
          %parallel_loop3A_339 = arith.index_cast %rem3A_171 : i32 to index
          %parallel_loop3A_340 = arith.index_cast %parallel_loop3A_338 : i32 to index
          %parallel_loop3A_341 = arith.index_cast %scan3A_298 : i32 to index
          %parallel_loop3A_342 = arith.index_cast %parallel_loop3A_337 : i32 to index
          %parallel_loop3A_343 = tpu.vector_load %arg9[%parallel_loop3A_339, %parallel_loop3A_340, %parallel_loop3A_341, %parallel_loop3A_342] {strides = array<i32>} : memref<2x10x8x512xf32, #tpu.memory_space<vmem>>, vector<16xf32>,
          tpu.vector_store %arg9[%parallel_loop3A_339, %parallel_loop3A_340, %parallel_loop3A_341, %parallel_loop3A_342], %parallel_loop3A_335 {strides = array<i32>} : memref<2x10x8x512xf32, #tpu.memory_space<vmem>>, vector<16xf32>,
          %parallel_loop3A_344 = arith.constant 1968 : i32
          %parallel_loop3A_345 = vector.broadcast %parallel_loop3A_344 : i32 to vector<16xi32>
          %parallel_loop3A_346 = arith.addi %parallel_loop3A_319, %parallel_loop3A_345 : vector<16xi32>
          %parallel_loop3A_347 = tpu.vector_load_idx %arg6[%parallel_loop3A_346] : memref<9840xf32, #tpu.memory_space<vmem>>[vector<16xi32>], vector<16xf32>,
          %parallel_loop3A_348 = arith.constant 16 : i32
          %parallel_loop3A_349 = arith.muli %parallel_loop3A_303, %parallel_loop3A_348 : i32
          %parallel_loop3A_350 = arith.constant 2 : i32
          %parallel_loop3A_351 = arith.index_cast %rem3A_171 : i32 to index
          %parallel_loop3A_352 = arith.index_cast %parallel_loop3A_350 : i32 to index
          %parallel_loop3A_353 = arith.index_cast %scan3A_298 : i32 to index
          %parallel_loop3A_354 = arith.index_cast %parallel_loop3A_349 : i32 to index
          %parallel_loop3A_355 = tpu.vector_load %arg9[%parallel_loop3A_351, %parallel_loop3A_352, %parallel_loop3A_353, %parallel_loop3A_354] {strides = array<i32>} : memref<2x10x8x512xf32, #tpu.memory_space<vmem>>, vector<16xf32>,
          tpu.vector_store %arg9[%parallel_loop3A_351, %parallel_loop3A_352, %parallel_loop3A_353, %parallel_loop3A_354], %parallel_loop3A_347 {strides = array<i32>} : memref<2x10x8x512xf32, #tpu.memory_space<vmem>>, vector<16xf32>,
          %parallel_loop3A_356 = arith.constant 2952 : i32
          %parallel_loop3A_357 = vector.broadcast %parallel_loop3A_356 : i32 to vector<16xi32>
          %parallel_loop3A_358 = arith.addi %parallel_loop3A_319, %parallel_loop3A_357 : vector<16xi32>
          %parallel_loop3A_359 = tpu.vector_load_idx %arg6[%parallel_loop3A_358] : memref<9840xf32, #tpu.memory_space<vmem>>[vector<16xi32>], vector<16xf32>,
          %parallel_loop3A_360 = arith.constant 16 : i32
          %parallel_loop3A_361 = arith.muli %parallel_loop3A_303, %parallel_loop3A_360 : i32
          %parallel_loop3A_362 = arith.constant 3 : i32
          %parallel_loop3A_363 = arith.index_cast %rem3A_171 : i32 to index
          %parallel_loop3A_364 = arith.index_cast %parallel_loop3A_362 : i32 to index
          %parallel_loop3A_365 = arith.index_cast %scan3A_298 : i32 to index
          %parallel_loop3A_366 = arith.index_cast %parallel_loop3A_361 : i32 to index
          %parallel_loop3A_367 = tpu.vector_load %arg9[%parallel_loop3A_363, %parallel_loop3A_364, %parallel_loop3A_365, %parallel_loop3A_366] {strides = array<i32>} : memref<2x10x8x512xf32, #tpu.memory_space<vmem>>, vector<16xf32>,
          tpu.vector_store %arg9[%parallel_loop3A_363, %parallel_loop3A_364, %parallel_loop3A_365, %parallel_loop3A_366], %parallel_loop3A_359 {strides = array<i32>} : memref<2x10x8x512xf32, #tpu.memory_space<vmem>>, vector<16xf32>,
          %parallel_loop3A_368 = arith.constant 3936 : i32
          %parallel_loop3A_369 = vector.broadcast %parallel_loop3A_368 : i32 to vector<16xi32>
          %parallel_loop3A_370 = arith.addi %parallel_loop3A_319, %parallel_loop3A_369 : vector<16xi32>
          %parallel_loop3A_371 = tpu.vector_load_idx %arg6[%parallel_loop3A_370] : memref<9840xf32, #tpu.memory_space<vmem>>[vector<16xi32>], vector<16xf32>,
          %parallel_loop3A_372 = arith.constant 16 : i32
          %parallel_loop3A_373 = arith.muli %parallel_loop3A_303, %parallel_loop3A_372 : i32
          %parallel_loop3A_374 = arith.constant 4 : i32
          %parallel_loop3A_375 = arith.index_cast %rem3A_171 : i32 to index
          %parallel_loop3A_376 = arith.index_cast %parallel_loop3A_374 : i32 to index
          %parallel_loop3A_377 = arith.index_cast %scan3A_298 : i32 to index
          %parallel_loop3A_378 = arith.index_cast %parallel_loop3A_373 : i32 to index
          %parallel_loop3A_379 = tpu.vector_load %arg9[%parallel_loop3A_375, %parallel_loop3A_376, %parallel_loop3A_377, %parallel_loop3A_378] {strides = array<i32>} : memref<2x10x8x512xf32, #tpu.memory_space<vmem>>, vector<16xf32>,
          tpu.vector_store %arg9[%parallel_loop3A_375, %parallel_loop3A_376, %parallel_loop3A_377, %parallel_loop3A_378], %parallel_loop3A_371 {strides = array<i32>} : memref<2x10x8x512xf32, #tpu.memory_space<vmem>>, vector<16xf32>,
          %parallel_loop3A_380 = arith.constant 4920 : i32
          %parallel_loop3A_381 = vector.broadcast %parallel_loop3A_380 : i32 to vector<16xi32>
          %parallel_loop3A_382 = arith.addi %parallel_loop3A_319, %parallel_loop3A_381 : vector<16xi32>
          %parallel_loop3A_383 = tpu.vector_load_idx %arg6[%parallel_loop3A_382] : memref<9840xf32, #tpu.memory_space<vmem>>[vector<16xi32>], vector<16xf32>,
          %parallel_loop3A_384 = arith.constant 16 : i32
          %parallel_loop3A_385 = arith.muli %parallel_loop3A_303, %parallel_loop3A_384 : i32
          %parallel_loop3A_386 = arith.constant 5 : i32
          %parallel_loop3A_387 = arith.index_cast %rem3A_171 : i32 to index
          %parallel_loop3A_388 = arith.index_cast %parallel_loop3A_386 : i32 to index
          %parallel_loop3A_389 = arith.index_cast %scan3A_298 : i32 to index
          %parallel_loop3A_390 = arith.index_cast %parallel_loop3A_385 : i32 to index
          %parallel_loop3A_391 = tpu.vector_load %arg9[%parallel_loop3A_387, %parallel_loop3A_388, %parallel_loop3A_389, %parallel_loop3A_390] {strides = array<i32>} : memref<2x10x8x512xf32, #tpu.memory_space<vmem>>, vector<16xf32>,
          tpu.vector_store %arg9[%parallel_loop3A_387, %parallel_loop3A_388, %parallel_loop3A_389, %parallel_loop3A_390], %parallel_loop3A_383 {strides = array<i32>} : memref<2x10x8x512xf32, #tpu.memory_space<vmem>>, vector<16xf32>,
          %parallel_loop3A_392 = arith.constant 5904 : i32
          %parallel_loop3A_393 = vector.broadcast %parallel_loop3A_392 : i32 to vector<16xi32>
          %parallel_loop3A_394 = arith.addi %parallel_loop3A_319, %parallel_loop3A_393 : vector<16xi32>
          %parallel_loop3A_395 = tpu.vector_load_idx %arg6[%parallel_loop3A_394] : memref<9840xf32, #tpu.memory_space<vmem>>[vector<16xi32>], vector<16xf32>,
          %parallel_loop3A_396 = arith.constant 16 : i32
          %parallel_loop3A_397 = arith.muli %parallel_loop3A_303, %parallel_loop3A_396 : i32
          %parallel_loop3A_398 = arith.constant 6 : i32
          %parallel_loop3A_399 = arith.index_cast %rem3A_171 : i32 to index
          %parallel_loop3A_400 = arith.index_cast %parallel_loop3A_398 : i32 to index
          %parallel_loop3A_401 = arith.index_cast %scan3A_298 : i32 to index
          %parallel_loop3A_402 = arith.index_cast %parallel_loop3A_397 : i32 to index
          %parallel_loop3A_403 = tpu.vector_load %arg9[%parallel_loop3A_399, %parallel_loop3A_400, %parallel_loop3A_401, %parallel_loop3A_402] {strides = array<i32>} : memref<2x10x8x512xf32, #tpu.memory_space<vmem>>, vector<16xf32>,
          tpu.vector_store %arg9[%parallel_loop3A_399, %parallel_loop3A_400, %parallel_loop3A_401, %parallel_loop3A_402], %parallel_loop3A_395 {strides = array<i32>} : memref<2x10x8x512xf32, #tpu.memory_space<vmem>>, vector<16xf32>,
          %parallel_loop3A_404 = arith.constant 6888 : i32
          %parallel_loop3A_405 = vector.broadcast %parallel_loop3A_404 : i32 to vector<16xi32>
          %parallel_loop3A_406 = arith.addi %parallel_loop3A_319, %parallel_loop3A_405 : vector<16xi32>
          %parallel_loop3A_407 = tpu.vector_load_idx %arg6[%parallel_loop3A_406] : memref<9840xf32, #tpu.memory_space<vmem>>[vector<16xi32>], vector<16xf32>,
          %parallel_loop3A_408 = arith.constant 16 : i32
          %parallel_loop3A_409 = arith.muli %parallel_loop3A_303, %parallel_loop3A_408 : i32
          %parallel_loop3A_410 = arith.constant 7 : i32
          %parallel_loop3A_411 = arith.index_cast %rem3A_171 : i32 to index
          %parallel_loop3A_412 = arith.index_cast %parallel_loop3A_410 : i32 to index
          %parallel_loop3A_413 = arith.index_cast %scan3A_298 : i32 to index
          %parallel_loop3A_414 = arith.index_cast %parallel_loop3A_409 : i32 to index
          %parallel_loop3A_415 = tpu.vector_load %arg9[%parallel_loop3A_411, %parallel_loop3A_412, %parallel_loop3A_413, %parallel_loop3A_414] {strides = array<i32>} : memref<2x10x8x512xf32, #tpu.memory_space<vmem>>, vector<16xf32>,
          tpu.vector_store %arg9[%parallel_loop3A_411, %parallel_loop3A_412, %parallel_loop3A_413, %parallel_loop3A_414], %parallel_loop3A_407 {strides = array<i32>} : memref<2x10x8x512xf32, #tpu.memory_space<vmem>>, vector<16xf32>,
          %parallel_loop3A_416 = arith.constant 7872 : i32
          %parallel_loop3A_417 = vector.broadcast %parallel_loop3A_416 : i32 to vector<16xi32>
          %parallel_loop3A_418 = arith.addi %parallel_loop3A_319, %parallel_loop3A_417 : vector<16xi32>
          %parallel_loop3A_419 = tpu.vector_load_idx %arg6[%parallel_loop3A_418] : memref<9840xf32, #tpu.memory_space<vmem>>[vector<16xi32>], vector<16xf32>,
          %parallel_loop3A_420 = arith.constant 16 : i32
          %parallel_loop3A_421 = arith.muli %parallel_loop3A_303, %parallel_loop3A_420 : i32
          %parallel_loop3A_422 = arith.constant 8 : i32
          %parallel_loop3A_423 = arith.index_cast %rem3A_171 : i32 to index
          %parallel_loop3A_424 = arith.index_cast %parallel_loop3A_422 : i32 to index
          %parallel_loop3A_425 = arith.index_cast %scan3A_298 : i32 to index
          %parallel_loop3A_426 = arith.index_cast %parallel_loop3A_421 : i32 to index
          %parallel_loop3A_427 = tpu.vector_load %arg9[%parallel_loop3A_423, %parallel_loop3A_424, %parallel_loop3A_425, %parallel_loop3A_426] {strides = array<i32>} : memref<2x10x8x512xf32, #tpu.memory_space<vmem>>, vector<16xf32>,
          tpu.vector_store %arg9[%parallel_loop3A_423, %parallel_loop3A_424, %parallel_loop3A_425, %parallel_loop3A_426], %parallel_loop3A_419 {strides = array<i32>} : memref<2x10x8x512xf32, #tpu.memory_space<vmem>>, vector<16xf32>,
          %parallel_loop3A_428 = arith.constant 8856 : i32
          %parallel_loop3A_429 = vector.broadcast %parallel_loop3A_428 : i32 to vector<16xi32>
          %parallel_loop3A_430 = arith.addi %parallel_loop3A_319, %parallel_loop3A_429 : vector<16xi32>
          %parallel_loop3A_431 = tpu.vector_load_idx %arg6[%parallel_loop3A_430] : memref<9840xf32, #tpu.memory_space<vmem>>[vector<16xi32>], vector<16xf32>,
          %parallel_loop3A_432 = arith.constant 16 : i32
          %parallel_loop3A_433 = arith.muli %parallel_loop3A_303, %parallel_loop3A_432 : i32
          %parallel_loop3A_434 = arith.constant 9 : i32
          %parallel_loop3A_435 = arith.index_cast %rem3A_171 : i32 to index
          %parallel_loop3A_436 = arith.index_cast %parallel_loop3A_434 : i32 to index
          %parallel_loop3A_437 = arith.index_cast %scan3A_298 : i32 to index
          %parallel_loop3A_438 = arith.index_cast %parallel_loop3A_433 : i32 to index
          %parallel_loop3A_439 = tpu.vector_load %arg9[%parallel_loop3A_435, %parallel_loop3A_436, %parallel_loop3A_437, %parallel_loop3A_438] {strides = array<i32>} : memref<2x10x8x512xf32, #tpu.memory_space<vmem>>, vector<16xf32>,
          tpu.vector_store %arg9[%parallel_loop3A_435, %parallel_loop3A_436, %parallel_loop3A_437, %parallel_loop3A_438], %parallel_loop3A_431 {strides = array<i32>} : memref<2x10x8x512xf32, #tpu.memory_space<vmem>>, vector<16xf32>,
        } {sc.loop_unroll_factor = 8 : i64, sc.parallel_access}
        %scan3A_302 = arith.constant 0 : i32
        scf.yield %scan3A_302 : i32
      }
      %scan3A_246 = arith.constant 8 : i32
      %mul3A_247 = arith.constant 25 : i32
      %mul3A_248 = arith.muli %add3A, %mul3A_247 : i32
      %add3A_249 = arith.addi %mul3A_248, %scan3A_168 : i32
      %jit3A_250 = arith.constant 32 : i32
      %div3A_251 = arith.divsi %add3A_249, %jit3A_250 : i32
      %sign3A_252 = arith.constant 0 : i32
      %sign3A_253 = arith.cmpi sgt, %add3A_249, %sign3A_252 : i32
      %sign3A_254 = arith.extui %sign3A_253 : i1 to i32
      %sign3A_255 = arith.constant 0 : i32
      %sign3A_256 = arith.cmpi slt, %add3A_249, %sign3A_255 : i32
      %sign3A_257 = arith.extui %sign3A_256 : i1 to i32
      %sign3A_258 = arith.subi %sign3A_254, %sign3A_257 : i32
      %sign3A_259 = arith.constant 0 : i32
      %sign3A_260 = arith.cmpi sgt, %jit3A_250, %sign3A_259 : i32
      %sign3A_261 = arith.extui %sign3A_260 : i1 to i32
      %sign3A_262 = arith.constant 0 : i32
      %sign3A_263 = arith.cmpi slt, %jit3A_250, %sign3A_262 : i32
      %sign3A_264 = arith.extui %sign3A_263 : i1 to i32
      %sign3A_265 = arith.subi %sign3A_261, %sign3A_264 : i32
      %ne3A_266 = arith.cmpi ne, %sign3A_258, %sign3A_265 : i32
      %rem3A_267 = arith.remsi %add3A_249, %jit3A_250 : i32
      %ne3A_268 = arith.constant 0 : i32
      %ne3A_269 = arith.cmpi ne, %rem3A_267, %ne3A_268 : i32
      %and3A_270 = arith.andi %ne3A_266, %ne3A_269 : i1
      %sub3A_271 = arith.constant 1 : i32
      %sub3A_272 = arith.subi %div3A_251, %sub3A_271 : i32
      %select_n3A_273 = arith.select %and3A_270, %sub3A_272, %div3A_251 : i32
      %mul3A_274 = arith.constant 32 : i32
      %mul3A_275 = arith.muli %select_n3A_273, %mul3A_274 : i32
      %sub3A_276 = arith.subi %add3A_249, %mul3A_275 : i32
      %mul3A_277 = arith.constant 8 : i32
      %mul3A_278 = arith.muli %select_n3A_273, %mul3A_277 : i32
      %mul3A_279 = arith.constant 512 : i32
      %mul3A_280 = arith.muli %sub3A_276, %mul3A_279 : i32
      %dma_start3A_281 = arith.constant 0 : i32
      %dma_start3A_282 = arith.constant 0 : i32
      %dma_start3A_283 = arith.constant 0 : i32
      %dma_start3A_284 = tpu.memref_slice %arg9[%rem3A_171, %dma_start3A_281, %dma_start3A_282, %dma_start3A_283] : memref<2x10x8x512xf32, #tpu.memory_space<vmem>> -> memref<1x10x8x512xf32, #tpu.memory_space<vmem>>
      %dma_start3A_285 = tpu.memref_squeeze %dma_start3A_284 : memref<1x10x8x512xf32, #tpu.memory_space<vmem>> -> memref<10x8x512xf32, #tpu.memory_space<vmem>>
      %dma_start3A_286 = arith.constant 0 : i32
      %dma_start3A_287 = tpu.memref_slice %arg5[%dma_start3A_286, %mul3A_278, %mul3A_280] : memref<10x200x16384xf32, #tpu.memory_space<hbm>> -> memref<10x8x512xf32, #tpu.memory_space<hbm>>
      %dma_start3A_288 = tpu.memref_slice %arg12[%rem3A_171] : memref<2x!tpu.dma_semaphore, #tpu.memory_space<semaphore_mem>> -> memref<1x!tpu.dma_semaphore, #tpu.memory_space<semaphore_mem>>
      %dma_start3A_289 = tpu.memref_squeeze %dma_start3A_288 : memref<1x!tpu.dma_semaphore, #tpu.memory_space<semaphore_mem>> -> memref<!tpu.dma_semaphore, #tpu.memory_space<semaphore_mem>>
      %dma_start3A_290 = arith.constant 0 : i32
      %dma_start3A_291 = tpu.memref_slice %arg5[%dma_start3A_290, %mul3A_278, %mul3A_280] : memref<10x200x16384xf32, #tpu.memory_space<hbm>> -> memref<10x8x512xf32, #tpu.memory_space<hbm>>
      %dma_start3A_292 = arith.constant 0 : i32
      %dma_start3A_293 = arith.constant 0 : i32
      %dma_start3A_294 = arith.constant 0 : i32
      %dma_start3A_295 = tpu.memref_slice %arg9[%rem3A_171, %dma_start3A_292, %dma_start3A_293, %dma_start3A_294] : memref<2x10x8x512xf32, #tpu.memory_space<vmem>> -> memref<1x10x8x512xf32, #tpu.memory_space<vmem>>
      %dma_start3A_296 = tpu.memref_squeeze %dma_start3A_295 : memref<1x10x8x512xf32, #tpu.memory_space<vmem>> -> memref<10x8x512xf32, #tpu.memory_space<vmem>>
      tpu.enqueue_dma source(%dma_start3A_296 : memref<10x8x512xf32, #tpu.memory_space<vmem>>) target(%dma_start3A_291 : memref<10x8x512xf32, #tpu.memory_space<hbm>>) target_semaphore(%dma_start3A_289 : memref<!tpu.dma_semaphore, #tpu.memory_space<semaphore_mem>>)
      %scan3A_297 = arith.constant 0 : i32
      scf.yield %scan3A_297 : i32
    }
    %scan3A_60 = arith.constant 25 : i32
    %rem3A_61 = arith.constant 23 : i32
    %rem3A_62 = arith.constant 2 : i32
    %rem3A_63 = arith.remsi %rem3A_61, %rem3A_62 : i32
    %mul3A_64 = arith.constant 25 : i32
    %mul3A_65 = arith.muli %add3A, %mul3A_64 : i32
    %add3A_66 = arith.constant 23 : i32
    %add3A_67 = arith.addi %mul3A_65, %add3A_66 : i32
    %jit3A_68 = arith.constant 32 : i32
    %div3A_69 = arith.divsi %add3A_67, %jit3A_68 : i32
    %sign3A_70 = arith.constant 0 : i32
    %sign3A_71 = arith.cmpi sgt, %add3A_67, %sign3A_70 : i32
    %sign3A_72 = arith.extui %sign3A_71 : i1 to i32
    %sign3A_73 = arith.constant 0 : i32
    %sign3A_74 = arith.cmpi slt, %add3A_67, %sign3A_73 : i32
    %sign3A_75 = arith.extui %sign3A_74 : i1 to i32
    %sign3A_76 = arith.subi %sign3A_72, %sign3A_75 : i32
    %sign3A_77 = arith.constant 0 : i32
    %sign3A_78 = arith.cmpi sgt, %jit3A_68, %sign3A_77 : i32
    %sign3A_79 = arith.extui %sign3A_78 : i1 to i32
    %sign3A_80 = arith.constant 0 : i32
    %sign3A_81 = arith.cmpi slt, %jit3A_68, %sign3A_80 : i32
    %sign3A_82 = arith.extui %sign3A_81 : i1 to i32
    %sign3A_83 = arith.subi %sign3A_79, %sign3A_82 : i32
    %ne3A_84 = arith.cmpi ne, %sign3A_76, %sign3A_83 : i32
    %rem3A_85 = arith.remsi %add3A_67, %jit3A_68 : i32
    %ne3A_86 = arith.constant 0 : i32
    %ne3A_87 = arith.cmpi ne, %rem3A_85, %ne3A_86 : i32
    %and3A_88 = arith.andi %ne3A_84, %ne3A_87 : i1
    %sub3A_89 = arith.constant 1 : i32
    %sub3A_90 = arith.subi %div3A_69, %sub3A_89 : i32
    %select_n3A_91 = arith.select %and3A_88, %sub3A_90, %div3A_69 : i32
    %mul3A_92 = arith.constant 32 : i32
    %mul3A_93 = arith.muli %select_n3A_91, %mul3A_92 : i32
    %sub3A_94 = arith.subi %add3A_67, %mul3A_93 : i32
    %mul3A_95 = arith.constant 8 : i32
    %mul3A_96 = arith.muli %select_n3A_91, %mul3A_95 : i32
    %mul3A_97 = arith.constant 512 : i32
    %mul3A_98 = arith.muli %sub3A_94, %mul3A_97 : i32
    %dma_wait3A = arith.constant 0 : i32
    %dma_wait3A_99 = arith.constant 0 : i32
    %dma_wait3A_100 = arith.constant 0 : i32
    %dma_wait3A_101 = tpu.memref_slice %arg9[%rem3A_63, %dma_wait3A, %dma_wait3A_99, %dma_wait3A_100] : memref<2x10x8x512xf32, #tpu.memory_space<vmem>> -> memref<1x10x8x512xf32, #tpu.memory_space<vmem>>
    %dma_wait3A_102 = tpu.memref_squeeze %dma_wait3A_101 : memref<1x10x8x512xf32, #tpu.memory_space<vmem>> -> memref<10x8x512xf32, #tpu.memory_space<vmem>>
    %dma_wait3A_103 = arith.constant 0 : i32
    %dma_wait3A_104 = tpu.memref_slice %arg5[%dma_wait3A_103, %mul3A_96, %mul3A_98] : memref<10x200x16384xf32, #tpu.memory_space<hbm>> -> memref<10x8x512xf32, #tpu.memory_space<hbm>>
    %dma_wait3A_105 = tpu.memref_slice %arg12[%rem3A_63] : memref<2x!tpu.dma_semaphore, #tpu.memory_space<semaphore_mem>> -> memref<1x!tpu.dma_semaphore, #tpu.memory_space<semaphore_mem>>
    %dma_wait3A_106 = tpu.memref_squeeze %dma_wait3A_105 : memref<1x!tpu.dma_semaphore, #tpu.memory_space<semaphore_mem>> -> memref<!tpu.dma_semaphore, #tpu.memory_space<semaphore_mem>>
    %dma_wait3A_107 = arith.constant 0 : i32
    %dma_wait3A_108 = tpu.memref_slice %arg5[%dma_wait3A_107, %mul3A_96, %mul3A_98] : memref<10x200x16384xf32, #tpu.memory_space<hbm>> -> memref<10x8x512xf32, #tpu.memory_space<hbm>>
    %dma_wait3A_109 = arith.constant 0 : i32
    %dma_wait3A_110 = arith.constant 0 : i32
    %dma_wait3A_111 = arith.constant 0 : i32
    %dma_wait3A_112 = tpu.memref_slice %arg9[%rem3A_63, %dma_wait3A_109, %dma_wait3A_110, %dma_wait3A_111] : memref<2x10x8x512xf32, #tpu.memory_space<vmem>> -> memref<1x10x8x512xf32, #tpu.memory_space<vmem>>
    %dma_wait3A_113 = tpu.memref_squeeze %dma_wait3A_112 : memref<1x10x8x512xf32, #tpu.memory_space<vmem>> -> memref<10x8x512xf32, #tpu.memory_space<vmem>>
    tpu.wait_dma2 semaphore(%dma_wait3A_106 : memref<!tpu.dma_semaphore, #tpu.memory_space<semaphore_mem>>) src(%dma_wait3A_113 : memref<10x8x512xf32, #tpu.memory_space<vmem>>) dst(%dma_wait3A_108 : memref<10x8x512xf32, #tpu.memory_space<hbm>>)
    %rem3A_114 = arith.constant 24 : i32
    %rem3A_115 = arith.constant 2 : i32
    %rem3A_116 = arith.remsi %rem3A_114, %rem3A_115 : i32
    %mul3A_117 = arith.constant 25 : i32
    %mul3A_118 = arith.muli %add3A, %mul3A_117 : i32
    %add3A_119 = arith.constant 24 : i32
    %add3A_120 = arith.addi %mul3A_118, %add3A_119 : i32
    %jit3A_121 = arith.constant 32 : i32
    %div3A_122 = arith.divsi %add3A_120, %jit3A_121 : i32
    %sign3A_123 = arith.constant 0 : i32
    %sign3A_124 = arith.cmpi sgt, %add3A_120, %sign3A_123 : i32
    %sign3A_125 = arith.extui %sign3A_124 : i1 to i32
    %sign3A_126 = arith.constant 0 : i32
    %sign3A_127 = arith.cmpi slt, %add3A_120, %sign3A_126 : i32
    %sign3A_128 = arith.extui %sign3A_127 : i1 to i32
    %sign3A_129 = arith.subi %sign3A_125, %sign3A_128 : i32
    %sign3A_130 = arith.constant 0 : i32
    %sign3A_131 = arith.cmpi sgt, %jit3A_121, %sign3A_130 : i32
    %sign3A_132 = arith.extui %sign3A_131 : i1 to i32
    %sign3A_133 = arith.constant 0 : i32
    %sign3A_134 = arith.cmpi slt, %jit3A_121, %sign3A_133 : i32
    %sign3A_135 = arith.extui %sign3A_134 : i1 to i32
    %sign3A_136 = arith.subi %sign3A_132, %sign3A_135 : i32
    %ne3A_137 = arith.cmpi ne, %sign3A_129, %sign3A_136 : i32
    %rem3A_138 = arith.remsi %add3A_120, %jit3A_121 : i32
    %ne3A_139 = arith.constant 0 : i32
    %ne3A_140 = arith.cmpi ne, %rem3A_138, %ne3A_139 : i32
    %and3A_141 = arith.andi %ne3A_137, %ne3A_140 : i1
    %sub3A_142 = arith.constant 1 : i32
    %sub3A_143 = arith.subi %div3A_122, %sub3A_142 : i32
    %select_n3A_144 = arith.select %and3A_141, %sub3A_143, %div3A_122 : i32
    %mul3A_145 = arith.constant 32 : i32
    %mul3A_146 = arith.muli %select_n3A_144, %mul3A_145 : i32
    %sub3A_147 = arith.subi %add3A_120, %mul3A_146 : i32
    %mul3A_148 = arith.constant 8 : i32
    %mul3A_149 = arith.muli %select_n3A_144, %mul3A_148 : i32
    %mul3A_150 = arith.constant 512 : i32
    %mul3A_151 = arith.muli %sub3A_147, %mul3A_150 : i32
    %dma_wait3A_152 = arith.constant 0 : i32
    %dma_wait3A_153 = arith.constant 0 : i32
    %dma_wait3A_154 = arith.constant 0 : i32
    %dma_wait3A_155 = tpu.memref_slice %arg9[%rem3A_116, %dma_wait3A_152, %dma_wait3A_153, %dma_wait3A_154] : memref<2x10x8x512xf32, #tpu.memory_space<vmem>> -> memref<1x10x8x512xf32, #tpu.memory_space<vmem>>
    %dma_wait3A_156 = tpu.memref_squeeze %dma_wait3A_155 : memref<1x10x8x512xf32, #tpu.memory_space<vmem>> -> memref<10x8x512xf32, #tpu.memory_space<vmem>>
    %dma_wait3A_157 = arith.constant 0 : i32
    %dma_wait3A_158 = tpu.memref_slice %arg5[%dma_wait3A_157, %mul3A_149, %mul3A_151] : memref<10x200x16384xf32, #tpu.memory_space<hbm>> -> memref<10x8x512xf32, #tpu.memory_space<hbm>>
    %dma_wait3A_159 = tpu.memref_slice %arg12[%rem3A_116] : memref<2x!tpu.dma_semaphore, #tpu.memory_space<semaphore_mem>> -> memref<1x!tpu.dma_semaphore, #tpu.memory_space<semaphore_mem>>
    %dma_wait3A_160 = tpu.memref_squeeze %dma_wait3A_159 : memref<1x!tpu.dma_semaphore, #tpu.memory_space<semaphore_mem>> -> memref<!tpu.dma_semaphore, #tpu.memory_space<semaphore_mem>>
    %dma_wait3A_161 = arith.constant 0 : i32
    %dma_wait3A_162 = tpu.memref_slice %arg5[%dma_wait3A_161, %mul3A_149, %mul3A_151] : memref<10x200x16384xf32, #tpu.memory_space<hbm>> -> memref<10x8x512xf32, #tpu.memory_space<hbm>>
    %dma_wait3A_163 = arith.constant 0 : i32
    %dma_wait3A_164 = arith.constant 0 : i32
    %dma_wait3A_165 = arith.constant 0 : i32
    %dma_wait3A_166 = tpu.memref_slice %arg9[%rem3A_116, %dma_wait3A_163, %dma_wait3A_164, %dma_wait3A_165] : memref<2x10x8x512xf32, #tpu.memory_space<vmem>> -> memref<1x10x8x512xf32, #tpu.memory_space<vmem>>
    %dma_wait3A_167 = tpu.memref_squeeze %dma_wait3A_166 : memref<1x10x8x512xf32, #tpu.memory_space<vmem>> -> memref<10x8x512xf32, #tpu.memory_space<vmem>>
    tpu.wait_dma2 semaphore(%dma_wait3A_160 : memref<!tpu.dma_semaphore, #tpu.memory_space<semaphore_mem>>) src(%dma_wait3A_167 : memref<10x8x512xf32, #tpu.memory_space<vmem>>) dst(%dma_wait3A_162 : memref<10x8x512xf32, #tpu.memory_space<hbm>>)
    return
  }
}

module attributes {stable_mosaic.version = 14 : i64} {
  func.func @_pair_table_body(%arg0: memref<32x164xf32, #tpu.memory_space<vmem>>, %arg1: memref<3x6xf32, #tpu.memory_space<vmem>>, %arg2: memref<17x35xf32, #tpu.memory_space<vmem>>, %arg3: memref<1x17xf32, #tpu.memory_space<vmem>>, %arg4: memref<10x17xf32, #tpu.memory_space<vmem>>, %arg5: memref<1x10xf32, #tpu.memory_space<vmem>>, %arg6: memref<10x984xf32, #tpu.memory_space<vmem>>) attributes {dimension_semantics = [], scalar_prefetch = 0 : i64, scratch_operands = 0 : i64, tpu.core_type = #tpu.core_type<tc>} {
    %get3A = arith.constant 0 : index
    %get3A_0 = arith.constant 0 : index
    %get3A_1 = vector.load %arg2[%get3A, %get3A_0] : memref<17x35xf32, #tpu.memory_space<vmem>>, vector<17x35xf32>
    %slice3A = vector.extract_strided_slice %get3A_1 {offsets = [0, 0], sizes = [17, 32], strides = [1, 1]} : vector<17x35xf32> to vector<17x32xf32>
    %get3A_2 = arith.constant 0 : index
    %get3A_3 = arith.constant 0 : index
    %get3A_4 = vector.load %arg0[%get3A_2, %get3A_3] : memref<32x164xf32, #tpu.memory_space<vmem>>, vector<32x164xf32>
    %dot_general3A = arith.constant dense<0.000000e+00> : vector<17x164xf32>
    %dot_general3A_5 = tpu.matmul %slice3A, %get3A_4, %dot_general3A {dimension_numbers = #tpu.dot_dimension_numbers<[1], [0], [0], [1], [0, 0, 1, 1], [], []>, transpose_lhs_hint = false} : vector<17x32xf32>, vector<32x164xf32>, vector<17x164xf32> -> vector<17x164xf32>
    %slice3A_6 = vector.extract_strided_slice %get3A_1 {offsets = [0, 32], sizes = [17, 3], strides = [1, 1]} : vector<17x35xf32> to vector<17x3xf32>
    %get3A_7 = arith.constant 0 : index
    %get3A_8 = arith.constant 0 : index
    %get3A_9 = vector.load %arg1[%get3A_7, %get3A_8] : memref<3x6xf32, #tpu.memory_space<vmem>>, vector<3x6xf32>
    %dot_general3A_10 = arith.constant dense<0.000000e+00> : vector<17x6xf32>
    %dot_general3A_11 = tpu.matmul %slice3A_6, %get3A_9, %dot_general3A_10 {dimension_numbers = #tpu.dot_dimension_numbers<[1], [0], [0], [1], [0, 0, 1, 1], [], []>, transpose_lhs_hint = false} : vector<17x3xf32>, vector<3x6xf32>, vector<17x6xf32> -> vector<17x6xf32>
    %iota3A = tpu.iota {dimensions = array<i32: 1>} : vector<164x984xi32>
    %jit3A = arith.constant 6 : i32
    %div3A = vector.broadcast %jit3A : i32 to vector<164x984xi32>
    %div3A_12 = arith.divsi %iota3A, %div3A : vector<164x984xi32>
    %sign3A = arith.constant 0 : i32
    %sign3A_13 = vector.broadcast %sign3A : i32 to vector<164x984xi32>
    %sign3A_14 = arith.cmpi sgt, %iota3A, %sign3A_13 : vector<164x984xi32>
    %sign3A_15 = arith.extui %sign3A_14 : vector<164x984xi1> to vector<164x984xi32>
    %sign3A_16 = arith.constant 0 : i32
    %sign3A_17 = vector.broadcast %sign3A_16 : i32 to vector<164x984xi32>
    %sign3A_18 = arith.cmpi slt, %iota3A, %sign3A_17 : vector<164x984xi32>
    %sign3A_19 = arith.extui %sign3A_18 : vector<164x984xi1> to vector<164x984xi32>
    %sign3A_20 = arith.subi %sign3A_15, %sign3A_19 : vector<164x984xi32>
    %sign3A_21 = arith.constant 0 : i32
    %sign3A_22 = arith.cmpi sgt, %jit3A, %sign3A_21 : i32
    %sign3A_23 = arith.extui %sign3A_22 : i1 to i32
    %sign3A_24 = arith.constant 0 : i32
    %sign3A_25 = arith.cmpi slt, %jit3A, %sign3A_24 : i32
    %sign3A_26 = arith.extui %sign3A_25 : i1 to i32
    %sign3A_27 = arith.subi %sign3A_23, %sign3A_26 : i32
    %ne3A = vector.broadcast %sign3A_27 : i32 to vector<164x984xi32>
    %ne3A_28 = arith.cmpi ne, %sign3A_20, %ne3A : vector<164x984xi32>
    %rem3A = vector.broadcast %jit3A : i32 to vector<164x984xi32>
    %rem3A_29 = arith.remsi %iota3A, %rem3A : vector<164x984xi32>
    %ne3A_30 = arith.constant 0 : i32
    %ne3A_31 = vector.broadcast %ne3A_30 : i32 to vector<164x984xi32>
    %ne3A_32 = arith.cmpi ne, %rem3A_29, %ne3A_31 : vector<164x984xi32>
    %and3A = arith.andi %ne3A_28, %ne3A_32 : vector<164x984xi1>
    %sub3A = arith.constant 1 : i32
    %sub3A_33 = vector.broadcast %sub3A : i32 to vector<164x984xi32>
    %sub3A_34 = arith.subi %div3A_12, %sub3A_33 : vector<164x984xi32>
    %select_n3A = arith.select %and3A, %sub3A_34, %div3A_12 : vector<164x984xi1>, vector<164x984xi32>
    %iota3A_35 = tpu.iota {dimensions = array<i32: 0>} : vector<164x984xi32>
    %eq3A = arith.cmpi eq, %select_n3A, %iota3A_35 : vector<164x984xi32>
    %convert_element_type3A = arith.extui %eq3A : vector<164x984xi1> to vector<164x984xi32>
    %convert_element_type3A_36 = arith.sitofp %convert_element_type3A : vector<164x984xi32> to vector<164x984xf32>
    %iota3A_37 = tpu.iota {dimensions = array<i32: 1>} : vector<6x984xi32>
    %jit3A_38 = arith.constant 6 : i32
    %eq3A_39 = arith.constant 0 : i32
    %eq3A_40 = arith.cmpi eq, %jit3A_38, %eq3A_39 : i32
    %jit3A_41 = arith.constant 1 : i32
    %select_n3A_42 = arith.select %eq3A_40, %jit3A_41, %jit3A_38 : i32
    %rem3A_43 = vector.broadcast %select_n3A_42 : i32 to vector<6x984xi32>
    %rem3A_44 = arith.remsi %iota3A_37, %rem3A_43 : vector<6x984xi32>
    %ne3A_45 = arith.constant 0 : i32
    %ne3A_46 = vector.broadcast %ne3A_45 : i32 to vector<6x984xi32>
    %ne3A_47 = arith.cmpi ne, %rem3A_44, %ne3A_46 : vector<6x984xi32>
    %lt3A = arith.constant 0 : i32
    %lt3A_48 = vector.broadcast %lt3A : i32 to vector<6x984xi32>
    %lt3A_49 = arith.cmpi slt, %rem3A_44, %lt3A_48 : vector<6x984xi32>
    %lt3A_50 = arith.constant 0 : i32
    %lt3A_51 = arith.cmpi slt, %select_n3A_42, %lt3A_50 : i32
    %ne3A_52 = vector.broadcast %lt3A_51 : i1 to vector<6x984xi1>
    %ne3A_53 = vector.broadcast %ne3A_52 : vector<6x984xi1> to vector<6x984xi1>
    %ne3A_54 = arith.xori %lt3A_49, %ne3A_53 : vector<6x984xi1>
    %and3A_55 = arith.andi %ne3A_54, %ne3A_47 : vector<6x984xi1>
    %add3A = vector.broadcast %select_n3A_42 : i32 to vector<6x984xi32>
    %add3A_56 = arith.addi %rem3A_44, %add3A : vector<6x984xi32>
    %select_n3A_57 = arith.select %and3A_55, %add3A_56, %rem3A_44 : vector<6x984xi1>, vector<6x984xi32>
    %iota3A_58 = tpu.iota {dimensions = array<i32: 0>} : vector<6x984xi32>
    %eq3A_59 = arith.cmpi eq, %select_n3A_57, %iota3A_58 : vector<6x984xi32>
    %convert_element_type3A_60 = arith.extui %eq3A_59 : vector<6x984xi1> to vector<6x984xi32>
    %convert_element_type3A_61 = arith.sitofp %convert_element_type3A_60 : vector<6x984xi32> to vector<6x984xf32>
    %dot_general3A_62 = arith.constant dense<0.000000e+00> : vector<17x984xf32>
    %dot_general3A_63 = tpu.matmul %dot_general3A_5, %convert_element_type3A_36, %dot_general3A_62 {dimension_numbers = #tpu.dot_dimension_numbers<[1], [0], [0], [1], [0, 0, 1, 1], [], []>, transpose_lhs_hint = false} : vector<17x164xf32>, vector<164x984xf32>, vector<17x984xf32> -> vector<17x984xf32>
    %dot_general3A_64 = arith.constant dense<0.000000e+00> : vector<17x984xf32>
    %dot_general3A_65 = tpu.matmul %dot_general3A_11, %convert_element_type3A_61, %dot_general3A_64 {dimension_numbers = #tpu.dot_dimension_numbers<[1], [0], [0], [1], [0, 0, 1, 1], [], []>, transpose_lhs_hint = false} : vector<17x6xf32>, vector<6x984xf32>, vector<17x984xf32> -> vector<17x984xf32>
    %add3A_66 = arith.addf %dot_general3A_63, %dot_general3A_65 : vector<17x984xf32>
    %get3A_67 = arith.constant 0 : index
    %get3A_68 = arith.constant 0 : index
    %get3A_69 = vector.load %arg3[%get3A_67, %get3A_68] : memref<1x17xf32, #tpu.memory_space<vmem>>, vector<1x17xf32>
    %transpose3A = tpu.transpose %get3A_69, [1, 0] : vector<1x17xf32> -> vector<17x1xf32>
    %add3A_70 = vector.broadcast %transpose3A : vector<17x1xf32> to vector<17x984xf32>
    %add3A_71 = arith.addf %add3A_66, %add3A_70 : vector<17x984xf32>
    %max3A = arith.constant 0.000000e+00 : f32
    %max3A_72 = vector.broadcast %max3A : f32 to vector<17x984xf32>
    %max3A_73 = arith.maximumf %add3A_71, %max3A_72 : vector<17x984xf32>
    %get3A_74 = arith.constant 0 : index
    %get3A_75 = arith.constant 0 : index
    %get3A_76 = vector.load %arg4[%get3A_74, %get3A_75] : memref<10x17xf32, #tpu.memory_space<vmem>>, vector<10x17xf32>
    %dot_general3A_77 = arith.constant dense<0.000000e+00> : vector<10x984xf32>
    %dot_general3A_78 = tpu.matmul %get3A_76, %max3A_73, %dot_general3A_77 {dimension_numbers = #tpu.dot_dimension_numbers<[1], [0], [0], [1], [0, 0, 1, 1], [], []>, transpose_lhs_hint = false} : vector<10x17xf32>, vector<17x984xf32>, vector<10x984xf32> -> vector<10x984xf32>
    %get3A_79 = arith.constant 0 : index
    %get3A_80 = arith.constant 0 : index
    %get3A_81 = vector.load %arg5[%get3A_79, %get3A_80] : memref<1x10xf32, #tpu.memory_space<vmem>>, vector<1x10xf32>
    %transpose3A_82 = tpu.transpose %get3A_81, [1, 0] : vector<1x10xf32> -> vector<10x1xf32>
    %add3A_83 = vector.broadcast %transpose3A_82 : vector<10x1xf32> to vector<10x984xf32>
    %add3A_84 = arith.addf %dot_general3A_78, %add3A_83 : vector<10x984xf32>
    %swap3A = arith.constant 0 : index
    %swap3A_85 = arith.constant 0 : index
    %swap3A_86 = vector.load %arg6[%swap3A, %swap3A_85] : memref<10x984xf32, #tpu.memory_space<vmem>>, vector<10x984xf32>
    tpu.vector_store %arg6[%swap3A, %swap3A_85], %add3A_84 {strides = array<i32>} : memref<10x984xf32, #tpu.memory_space<vmem>>, vector<10x984xf32>,
    return
  }
}

</mosaic_0001>

<sc_bundles>
// kernel: kernel.4.cloned.1.call-start
scs
__scs_entry_jumppad:
0x0: {  	(pc) =	sbr.rel $0x88, $3  }
0x1: {  	(tag) =	ssettag $0x0;
	lr =	simm.s32 $0x1  }
0x2: {  	[smem:$0x3F99] =	sst lr;
	_ =	strace $0xD0000000  }
0x3: {  	_ = 	snop  }
0x4: {  	_ = 	snop  }
0x5: {  	_ = 	snop  }
0x6: {  	_ = 	snop  }
0x7: {  	_ = 	snop  }
__scs_overlays_trampoline_lowered:
0x8: {  	[smem:$0x3FA8] =	sst s0  }
0x9: {  	[smem:$0x3FA9] =	sst s1  }
0xa: {  	[smem:$0x3FAA] =	sst s2  }
0xb: {  	[smem:$0x3FAB] =	sst s3  }
0xc: {  	[smem:$0x3FAC] =	sst s4  }
0xd: {  	[smem:$0x3FAD] =	sst s5  }
0xe: {  	[smem:$0x3FAE] =	sst s6  }
0xf: {  	[smem:$0x3FAF] =	sst s7  }
0x10: {  	[smem:$0x3FB0] =	sst s8  }
0x11: {  	[smem:$0x3FB1] =	sst s9;
	s0 =	simm.s32 @!p0 $0x0  }
0x12: {  	s1 =	sld [smem:$0x3F97];
	s0 =	simm.s32 @p0 $0x1  }
0x13: {  	[smem:$0x3FB2] =	sst s0;
	s0 =	simm.s32 @!p1 $0x0  }
0x14: {  	s2 =	sld [smem:$0x3F96];
	s0 =	simm.s32 @p1 $0x1  }
0x15: {  	[smem:$0x3FB3] =	sst s0;
	s0 =	simm.s32 @!p2 $0x0  }
0x16: {  	s3 =	sld [smem:$0x3FDB];
	s0 =	simm.s32 @p2 $0x1  }
0x17: {  	s4 =	simm.s32 $0x1BF5;
	[smem:$0x3FB5] =	sst s0  }
0x18: {  	s0 =	sld [smem:$0x3F98];
	_ =	swait.ge [sflag:s4], $0x0  }
0x19: {  	s7 =	sld [smem:$0x3F99]  }
0x1a: {  	s8 =	sadd.s32 $0xFFFFE003, lr  }
0x1b: {  	s9 =	sadd.s32 $0xFFFFFEF7, lr;
	s5 =	simm.s32 $0xFFFFFFFF;
	p2 =	slt.u32 s8, $0xFFFFF086  }
0x1c: {  	p1 =	slt.u32 s9, $0xF7A;
	s5 =	simm.s32 @!p2 $0x0  }
0x1d: {  	s5 =	simm.s32 @p1 $0x1;
	p0 =	seq.s32 s7, s2  }
0x1e: {  	s7 =	smul.u32 @!p0 $0xF7A, s2;
	p2 =	seq.s32 @!p0 s5, $0x0  }
0x1f: {  	s9 =	smul.u32 $0xF7A, s1;
	s8 =	simm.s32 @!p0 $0x1BF5;
	p2 =	por !p2, p0  }
0x20: {  	[sflag:s8] =	ssyncset.s32 @!p0 $0xFFFFF086;
	s6 =	sadd.s32 @!p0 s3, s7;
	s7 =	simm.s32 @!p0 $0x108  }
0x21: {  	s3 =	sadd.s32 s3, s9;
	s6 =	sadd.s32 @!p0 $0x88, s6;
	s7 =	simm.s32 @p2 $0x1082  }
0x22: {  	[simem:s7], [sflag:s8] =	dma.local @!p0 [hbm:s6], $0xF7A  }
0x23: {  	s9 =	sor.u32 $0xD0000000, s2;
	s6 =	simm.s32 $0x108;
	_ =	swait.ge @!p0 [sflag:s8], $0x0  }
0x24: {  	s3 =	sadd.s32 $0x88, s3;
	s6 =	simm.s32 @!p1 $0x1082;
	[sflag:s4] =	ssyncset.s32 $0xFFFFF086  }
0x25: {  	[simem:s6], [sflag:s4] =	dma.local [hbm:s3], $0xF7A  }
0x26: {  	[smem:$0x3F99] =	sst s1;
	(tag) =	ssettag s2;
	_ =	strace s9  }
0x27: {  	s1 =	sld [smem:$0x3FA9]  }
0x28: {  	s2 =	sld [smem:$0x3FAA]  }
0x29: {  	s4 =	sld [smem:$0x3FAC]  }
0x2a: {  	p0 =	seq.s32 s5, $0x0;
	s5 =	sld [smem:$0x3FAD]  }
0x2b: {  	s6 =	sld [smem:$0x3FAE]  }
0x2c: {  	s7 =	sld [smem:$0x3FAF]  }
0x2d: {  	s3 =	simm.s32 $0x108;
	s8 =	sld [smem:$0x3FB0]  }
0x2e: {  	s3 =	simm.s32 @!p0 $0x1082;
	s9 =	sld [smem:$0x3FB1]  }
0x2f: {  	lr =	sadd.s32 s0, s3;
	s0 =	sld [smem:$0x3FA8]  }
0x30: {  	s3 =	sld [smem:$0x3FAB]  }
0x31: {  	[smem:$0x3FB4] =	sst s10  }
0x32: {  	s10 =	sld [smem:$0x3FB2];
	_ =	sdelay $0x3  }
0x33: {  	p0 =	seq.s32 s10, $0x1;
	s10 =	sld [smem:$0x3FB4];
	_ =	sdelay $0x3  }
0x34: {  	[smem:$0x3FB4] =	sst s10  }
0x35: {  	s10 =	sld [smem:$0x3FB3];
	_ =	sdelay $0x3  }
0x36: {  	p1 =	seq.s32 s10, $0x1;
	s10 =	sld [smem:$0x3FB4];
	_ =	sdelay $0x3  }
0x37: {  	[smem:$0x3FB4] =	sst s10  }
0x38: {  	s10 =	sld [smem:$0x3FB5]  }
0x39: {  	_ = 	snop;
	(pc) =	sbr.ind lr, $3  }
0x3a: {  	_ = 	snop  }
0x3b: {  	_ = 	snop  }
0x3c: {  	p2 =	seq.s32 s10, $0x1;
	s10 =	sld [smem:$0x3FB4]  }
0x3d: {  	_ =	shalt  }
0x3e: {  	_ =	shalt  }
0x3f: {  	_ =	shalt  }
0x40: {  	_ =	shalt  }
0x41: {  	_ =	shalt  }
0x42: {  	_ =	shalt  }
0x43: {  	_ =	shalt  }
0x44: {  	_ =	shalt  }
0x45: {  	_ =	shalt  }
0x46: {  	_ =	shalt  }
0x47: {  	_ =	shalt  }
0x48: {  	_ =	shalt  }
0x49: {  	_ =	shalt  }
0x4a: {  	_ =	shalt  }
0x4b: {  	_ =	shalt  }
0x4c: {  	_ =	shalt  }
0x4d: {  	_ =	shalt  }
0x4e: {  	_ =	shalt  }
0x4f: {  	_ =	shalt  }
0x50: {  	_ =	shalt  }
0x51: {  	_ =	shalt  }
0x52: {  	_ =	shalt  }
0x53: {  	_ =	shalt  }
0x54: {  	_ =	shalt  }
0x55: {  	_ =	shalt  }
0x56: {  	_ =	shalt  }
0x57: {  	_ =	shalt  }
0x58: {  	_ =	shalt  }
0x59: {  	_ =	shalt  }
0x5a: {  	_ =	shalt  }
0x5b: {  	_ =	shalt  }
0x5c: {  	_ =	shalt  }
0x5d: {  	_ =	shalt  }
0x5e: {  	_ =	shalt  }
0x5f: {  	_ =	shalt  }
0x60: {  	_ =	shalt  }
0x61: {  	_ =	shalt  }
0x62: {  	_ =	shalt  }
0x63: {  	_ =	shalt  }
0x64: {  	_ =	shalt  }
0x65: {  	_ =	shalt  }
0x66: {  	_ =	shalt  }
0x67: {  	_ =	shalt  }
0x68: {  	_ =	shalt  }
0x69: {  	_ =	shalt  }
0x6a: {  	_ =	shalt  }
0x6b: {  	_ =	shalt  }
0x6c: {  	_ =	shalt  }
0x6d: {  	_ =	shalt  }
0x6e: {  	_ =	shalt  }
0x6f: {  	_ =	shalt  }
0x70: {  	_ =	shalt  }
0x71: {  	_ =	shalt  }
0x72: {  	_ =	shalt  }
0x73: {  	_ =	shalt  }
0x74: {  	_ =	shalt  }
0x75: {  	_ =	shalt  }
0x76: {  	_ =	shalt  }
0x77: {  	_ =	shalt  }
0x78: {  	_ =	shalt  }
0x79: {  	_ =	shalt  }
0x7a: {  	_ =	shalt  }
0x7b: {  	_ =	shalt  }
0x7c: {  	_ =	shalt  }
0x7d: {  	_ =	shalt  }
0x7e: {  	_ =	shalt  }
0x7f: {  	_ =	shalt  }
0x80: {  	_ =	shalt  }
0x81: {  	_ =	shalt  }
0x82: {  	_ =	shalt  }
0x83: {  	_ =	shalt  }
0x84: {  	_ =	shalt  }
0x85: {  	_ =	shalt  }
0x86: {  	_ =	shalt  }
0x87: {  	_ =	shalt  }
.Lfunc_end0:
.L_simem_size_0:
called_computation_lowered:
.L_overlay_start_0:
0x88: {  	s2 =	sld [smem:$0x3FD9]  }
0x89: {  	s3 =	sld [smem:$0x3FFE];
	_ =	sdelay $0x1  }
0x8a: {  	s1 =	srdreg.scid  }
0x8b: {  	s0 =	sand.u32 $0x1, s1  }
0x8c: {  	s17 =	sshll.u32 s0, $0xA;
	s2 =	sadd.s32 s3, s2  }
0x8d: {  	s2 =	sadd.s32 s2, s17  }
0x8e: {  	[smem:$0x3FC0] =	sst s2  }
0x8f: {  	_ = 	snop  }
0x90: {  	s2 =	sld [smem:$0x3FC9]  }
0x91: {  	s18 =	sld [smem:$0x3FC8]  }
0x92: {  	s4 =	sld [smem:$0x3FD0];
	(tm) =	ssettm $0x1  }
0x93: {  	s5 =	sld [smem:$0x3FFB];
	_ =	sdelay $0x3  }
0x94: {  	_ =	strace s5  }
0x95: {  	s5 =	sld [smem:$0x3FFC];
	_ =	sdelay $0x3  }
0x96: {  	_ =	strace s5  }
0x97: {  	s5 =	sld [smem:$0x3FFD];
	_ =	sdelay $0x3  }
0x98: {  	_ =	strace s5  }
0x99: {  	_ =	strace $0x8FFFFFFF  }
0x9a: {  	s19 =	sld [smem:$0x3FDB];
	_ =	sdelay $0x1  }
0x9b: {  	s6 =	simm.s32 $_scs_section_size  }
0x9c: {  	s7 =	simm.s32 $_size__tile_overlayer_lowered;
	s8 =	simm.s32 $_tile_overlayer_lowered  }
0x9d: {  	s22 =	simm.s32 $0x1BFF;
	s21 =	sshll.u32 s8, $0x1;
	s5 =	sadd.s32 s6, s19  }
0x9e: {  	s9 =	simm.s32 $0x0;
	s20 =	sshll.u32 s7, $0x1;
	s7 =	sadd.s32 s21, s5  }
0x9f: {  	[timem:s9], [sflag:s22] =	dma.local [hbm:s7], s20  }
0xa0: {  	_ =	swait.ge [sflag:s22], s20  }
0xa1: {  	s6 =	ssub.s32 $0x0, s20;
	[sflag:s22] =	ssyncset.done $0x0  }
0xa2: {  	[sflag:s22] =	ssyncadd.s32 s6;
	_ =	sdelay $0x1  }
0xa3: {  	s23 =	simm.s32 $0x1B8B  }
0xa4: {  	_ =	swait.ge [sflag:s23], $0x1  }
0xa5: {  	[sflag:s23] =	ssyncset.done $0x0  }
0xa6: {  	s25 =	simm.s32 $0x1B8E;
	s24 =	sld [smem:$0x3FFE];
	[sflag:s23] =	ssyncadd.s32 $0xFFFFFFFF  }
0xa7: {  	s26 =	simm.s32 $execute0_lowered;
	[smem:$0x3FD2] =	sst s25  }
0xa8: {  	s7 =	sshll.u32 s26, $0x1;
	_ =	strace $0x80000046;
	[dreg:$0x1] =	wrdreg $0xFFFFFFFF  }
0xa9: {  	s28 =	simm.s32 $_size_execute0_lowered;
	s5 =	sadd.s32 s5, s7;
	[dreg:$0x0] =	wrdreg $0x0  }
0xaa: {  	s7 =	sshll.u32 s28, $0x1;
	[dreg:$0x2] =	wrdreg s5  }
0xab: {  	[dreg:$0x3] =	wrdreg s7  }
0xac: {  	[dreg:$0x4] =	wrdreg $0xC0  }
0xad: {  	_ =	task [dreg:s9], $0x5FFFF  }
0xae: {  	[dreg:$0x1] =	wrdreg $0xFFFFFFFF  }
0xaf: {  	[dreg:$0x0] =	wrdreg $0x60  }
0xb0: {  	[dreg:$0x2] =	wrdreg s24  }
0xb1: {  	[dreg:$0x3] =	wrdreg s2  }
0xb2: {  	[dreg:$0x4] =	wrdreg s18  }
0xb3: {  	[dreg:$0x5] =	wrdreg s4  }
0xb4: {  	[dreg:$0x6] =	wrdreg $0x9  }
0xb5: {  	_ =	task.clear_ibuf [dreg:s9], $0x7FFFF;
	_ =	strace $0x90000046  }
0xb6: {  	s29 =	simm.s32 $0x9;
	_ =	strace $0x80000048  }
0xb7: {  	_ =	swait.ge [sflag:s29], $0x1  }
0xb8: {  	[sflag:s29] =	ssyncadd.s32 $0xFFFFFFFF  }
0xb9: {  	_ =	strace $0x90000048  }
0xba: {  	_ =	sfence  }
0xbb: {  	s30 =	sld [smem:$0x0];
	_ =	sdelay $0x2  }
0xbc: {  	s31 =	sshll.u32 s1, $0xD;
	s1 =	sshrl.u32 s1, $0x2  }
0xbd: {  	s3 =	sand.u32 $0x4000, s31;
	s1 =	sadd.s32 s1, s30  }
0xbe: {  	s0 =	sor.u32 s3, s0;
	s1 =	sshll.u32 s1, $0x11  }
0xbf: {  	s0 =	sor.u32 s1, s0  }
0xc0: {  	s0 =	sadd.s32 $0x8F2B, s0  }
0xc1: {  	[sflag:s0] =	ssyncadd.remote.s32 $0x1  }
0xc2: {  	_ =	sfence.sel $0xFFFF  }
0xc3: {  	[dreg:$0x0] =	wrdreg $0xFFFFFFFF;
	(pc) =	sbr.abs _section_cstart, $3  }
0xc4: {  	[dreg:$0x1] =	wrdreg $0xFFFFFFFF  }
0xc5: {  	_ =	task.clear_ibuf [dreg:s9], $0x2FFFF;
	_ =	strace $0x9FFFFFFF  }
0xc6: {  	(tm) =	ssettm $0x7FFFFFFF  }
0xc7: {  	_ =	shalt  }
tec
execute0_lowered:
.L_overlay_start_1:
0x0: {  	(tag) =	ssettag $0x1  }
0x1: {  	s6 =	rddreg [dreg:$0x0]  }
0x2: {  	s2 =	rddreg [dreg:$0x1]  }
0x3: {  	s3 =	rddreg [dreg:$0x2]  }
0x4: {  	s4 =	rddreg [dreg:$0x3]  }
0x5: {  	s5 =	srdreg.scid;
	s1 =	stileid.u32  }
0x6: {  	s0 =	rddreg [dreg:$0x4];
	s12 =	simm.s32 $0x4680;
	s13 =	simm.s32 $0x7  }
0x7: {  	s14 =	simm.s32 $0x1000;
	s15 =	simm.s32 $0x320000;
	s16 =	simm.s32 $0x6  }
0x8: {  	s17 =	simm.s32 $0x5;
	s7 =	sand.u32 $0x1, s5;
	s8 =	sshll.u32 s1, $0x1  }
0x9: {  	s5 =	simm.s32 $0x0;
	s9 =	ssub.s32 $0x2, s7;
	s7 =	sor.u32 s7, s8  }
0xa: {  	s18 =	simm.s32 $0x0;
	[smem:$0x7FF] =	sst s5;
	s10 =	smul.u32 $0x3200, s7  }
0xb: {  	s6 =	sadd.s32 $0x1000, s6;
	s31 =	sshrl.u32 s9, $0x1;
	_ =	strace $0x80000047  }
0xc: {  	s7 =	smul.u32 $0x19, s7;
	s11 =	ssub.s32 s9, s31;
	s8 =	sadd.s32 s2, s10  }
0xd: {  	s9 =	sadd.s32 s3, s10;
	s10 =	smax.u32 s11, $0x1;
	s11 =	simm.s32 $0x2680  }
.LBB2_1:
0xe: {  	[tilespmem:s11], [sflag:$0x1] =	stream.linear.gather [hbm4b:s8+s5], $0x1000, $0x38;
	[tilespmem:$0x1A680] =	vst v63  }
0xf: {  	_ = 	snop  }
0x10: {  	[tilespmem:s12], [sflag:$0x3] =	stream.linear.gather [hbm4b:s9+s5], $0x1000, $0x38;
	[tilespmem:$0x1A680] =	vst v63  }
0x11: {  	_ = 	snop  }
0x12: {  	[tilespmem:s5], [sflag:$0x7] =	stream.linear.gather [hbm4b:s6+s5], $0x2680, $0x38;
	[tilespmem:$0x1A680] =	vst v63  }
0x13: {  	_ =	swait.ge [sflag:s13], $0x2680  }
0x14: {  	[sflag:s13] =	ssyncset.done $0x0  }
0x15: {  	p0 =	por $0x0, $0x0;
	s19 =	simm.s32 $0x0;
	[sflag:s13] =	ssyncadd.s32 $0xFFFFD980  }
.LBB2_2:
0x16: {  	s21 =	smov.u32 s19  }
0x17: {  	s20 =	sand.u32 $0x1, s19;
	p1 =	seq.s32 s19, $0x18;
	s19 =	sadd.s32 $0x1, s19  }
0x18: {  	s22 =	sxor.u32 @!p1 $0x1, s20;
	s23 =	sadd.s32 @!p1 s7, s19;
	s29 =	simm.s32 @!p1 $0x0  }
0x19: {  	s30 =	sadd.s32 $0x1, s20;
	s24 =	sshll.u32 @!p1 s22, $0xC;
	s23 =	sshll.u32 @!p1 s23, $0x9  }
0x1a: {  	s26 =	sadd.s32 @!p1 $0x1, s22;
	s25 =	sor.u32 @!p1 $0x2680, s24;
	s28 =	sadd.s32 @!p1 s2, s23  }
0x1b: {  	[tilespmem:s25], [sflag:s26] =	stream.linear.gather @!p1 [hbm4b:s28+s29], $0x1000, $0x38;
	[tilespmem:$0x1A680] =	vst v63  }
0x1c: {  	s22 =	sadd.s32 @!p1 $0x3, s22;
	s24 =	sor.u32 @!p1 $0x4680, s24;
	s23 =	sadd.s32 @!p1 s3, s23  }
0x1d: {  	[tilespmem:s24], [sflag:s22] =	stream.linear.gather @!p1 [hbm4b:s23+s29], $0x1000, $0x38;
	[tilespmem:$0x1A680] =	vst v63  }
0x1e: {  	s23 =	simm.s32 $0x1;
	_ =	swait.ge [sflag:s30], $0x1000  }
0x1f: {  	s26 =	smul.u32 $0x28000, s20;
	s23 =	simm.s32 @!p0 $0x0;
	[sflag:s30] =	ssyncset.done $0x0  }
0x20: {  	s25 =	sadd.s32 $0x3, s20;
	s31 =	smul.u32 $0x28000, s23;
	[sflag:s30] =	ssyncadd.s32 $0xFFFFF000  }
0x21: {  	p1 =	slt.u32 s21, $0x2;
	s23 =	sshll.u32 s23, $0xC;
	_ =	swait.ge [sflag:s25], $0x1000  }
0x22: {  	s30 =	sor.u32 $0x26F0, s23;
	s24 =	sshrl.u32 s31, $0x2;
	[sflag:s25] =	ssyncset.done $0x0  }
0x23: {  	s22 =	sadd.s32 @!p1 $0x5, s20;
	v30 =	vmov s30;
	s24 =	sadd.s32 $0x6680, s24;
	[sflag:s25] =	ssyncadd.s32 $0xFFFFF000  }
0x24: {  	s21 =	sadd.s32 s7, s21;
	s29 =	sor.u32 $0x46F0, s23;
	v2 =	vmov s24;
	_ =	swait.ge @!p1 [sflag:s22], $0xA000  }
0x25: {  	s23 =	simm.s32 $0x0;
	s31 =	sshrl.u32 s26, $0x2;
	v1 =	vmov s29;
	[sflag:s22] =	ssyncset.done @!p1 $0x0  }
0x26: {  	s24 =	simm.s32 $0x0;
	[sflag:s22] =	ssyncadd.s32 @!p1 $0xFFFF6000;
	s22 =	sadd.s32 $0x6680, s31  }
.LBB2_3:
0x27: {  	_ =	sdelay $0x2  }
0x28: {  	s25 =	sshra.s32 s23, $0x2  }
0x29: {  	v3 =	vld.idx.msk [tilespmem:v30+s25+$0x0 ss:$0x1], $0xffff  }
0x2a: {  	v4 =	vld.idx.msk [tilespmem:v30+s25+$0xFFFFFF90 ss:$0x1], $0xffff  }
0x2b: {  	v5 =	vld.idx.msk [tilespmem:v1+s25+$0x0 ss:$0x1], $0xffff  }
0x2c: {  	v6 =	vld.idx.msk [tilespmem:v30+s25+$0xFFFFFFA0 ss:$0x1], $0xffff  }
0x2d: {  	v7 =	vld.idx.msk [tilespmem:v30+s25+$0xFFFFFFB0 ss:$0x1], $0xffff  }
0x2e: {  	v8 =	vld.idx.msk [tilespmem:v30+s25+$0xFFFFFFC0 ss:$0x1], $0xffff  }
0x2f: {  	v9 =	vld.idx.msk [tilespmem:v30+s25+$0xFFFFFFD0 ss:$0x1], $0xffff  }
0x30: {  	v11 =	vld.idx.msk [tilespmem:v30+s25+$0xFFFFFFE0 ss:$0x1], $0xffff;
	v3 =	vmul.u32 $0x6, v3  }
0x31: {  	v12 =	vld.idx.msk [tilespmem:v30+s25+$0xFFFFFFF0 ss:$0x1], $0xffff  }
0x32: {  	v10 =	vadd.s32 v5, v3;
	v3 =	vld.idx.msk [tilespmem:v1+s25+$0xFFFFFF90 ss:$0x1], $0xffff  }
0x33: {  	v5 =	vld.idx.msk [tilespmem:v1+s25+$0xFFFFFFA0 ss:$0x1], $0xffff  }
0x34: {  	v13 =	vld.idx.msk [tilespmem:v1+s25+$0xFFFFFFB0 ss:$0x1], $0xffff  }
0x35: {  	v14 =	vld.idx.msk [tilespmem:v1+s25+$0xFFFFFFC0 ss:$0x1], $0xffff;
	v4 =	vmul.u32 $0x6, v4  }
0x36: {  	v17 =	vld.idx.msk [tilespmem:v1+s25+$0xFFFFFFD0 ss:$0x1], $0xffff;
	v16 =	vmul.u32 $0x6, v6  }
0x37: {  	v19 =	vld.idx.msk [tilespmem:v1+s25+$0xFFFFFFE0 ss:$0x1], $0xffff;
	v7 =	vmul.u32 $0x6, v7;
	v6 =	vadd.s32 v3, v4  }
0x38: {  	v59 =	vld.idx.msk [tilespmem:v1+s25+$0xFFFFFFF0 ss:$0x1], $0xffff;
	v3 =	vmul.u32 $0x6, v8;
	v8 =	vadd.s32 v5, v16  }
0x39: {  	v15 =	vld.idx.msk [tilespmem:v10+s5+$0x0], $0xffff;
	v5 =	vmul.u32 $0x6, v9;
	v9 =	vadd.s32 v13, v7  }
0x3a: {  	v18 =	vadd.s32 $0x3D8, v10  }
0x3b: {  	v7 =	vmul.u32 $0x6, v11;
	v4 =	vadd.s32 v14, v3  }
0x3c: {  	v12 =	vmul.u32 $0x6, v12;
	v3 =	vadd.s32 v17, v5;
	v13 =	vld.idx.msk [tilespmem:v6+s5+$0x0], $0xffff  }
0x3d: {  	v5 =	vadd.s32 v19, v7;
	v14 =	vld.idx.msk [tilespmem:v8+s5+$0x0], $0xffff  }
0x3e: {  	v7 =	vadd.s32 v59, v12;
	[tilespmem:v2+s25+$0x70 ss:$0x1] =	vst.idx.msk $0xffff, v15;
	v12 =	vld.idx.msk [tilespmem:v9+s5+$0x0], $0xffff  }
0x3f: {  	v60 =	vadd.s32 $0x3D8, v6;
	v11 =	vld.idx.msk [tilespmem:v18+s5+$0x0], $0xffff  }
0x40: {  	v15 =	vadd.s32 $0x7B0, v10;
	v61 =	vld.idx.msk [tilespmem:v4+s5+$0x0], $0xffff  }
0x41: {  	v62 =	vadd.s32 $0x3D8, v8;
	v63 =	vld.idx.msk [tilespmem:v3+s5+$0x0], $0xffff  }
0x42: {  	v20 =	vadd.s32 $0x3D8, v9;
	v21 =	vld.idx.msk [tilespmem:v5+s5+$0x0], $0xffff;
	[tilespmem:v2+s25+$0x0 ss:$0x1] =	vst.idx.msk $0xffff, v13  }
0x43: {  	v24 =	vadd.s32 $0x3D8, v5;
	[tilespmem:v2+s25+$0x10 ss:$0x1] =	vst.idx.msk $0xffff, v14;
	v14 =	vld.idx.msk [tilespmem:v7+s5+$0x0], $0xffff  }
0x44: {  	[tilespmem:v2+s25+$0x1070 ss:$0x1] =	vst.idx.msk $0xffff, v11;
	v11 =	vadd.s32 $0x3D8, v4;
	v16 =	vld.idx.msk [tilespmem:v60+s5+$0x0], $0xffff  }
0x45: {  	v25 =	vadd.s32 $0x3D8, v7;
	[tilespmem:v2+s25+$0x20 ss:$0x1] =	vst.idx.msk $0xffff, v12;
	v13 =	vld.idx.msk [tilespmem:v15+s5+$0x0], $0xffff  }
0x46: {  	v18 =	vld.idx.msk [tilespmem:v62+s5+$0x0], $0xffff;
	v15 =	vadd.s32 $0x3D8, v3;
	[tilespmem:v2+s25+$0x30 ss:$0x1] =	vst.idx.msk $0xffff, v61  }
0x47: {  	v12 =	vadd.s32 $0xB88, v10;
	v20 =	vld.idx.msk [tilespmem:v20+s5+$0x0], $0xffff;
	[tilespmem:v2+s25+$0x50 ss:$0x1] =	vst.idx.msk $0xffff, v21  }
0x48: {  	v26 =	vadd.s32 $0x7B0, v6;
	[tilespmem:v2+s25+$0x40 ss:$0x1] =	vst.idx.msk $0xffff, v63;
	v17 =	vld.idx.msk [tilespmem:v24+s5+$0x0], $0xffff  }
0x49: {  	[tilespmem:v2+s25+$0x60 ss:$0x1] =	vst.idx.msk $0xffff, v14;
	v14 =	vadd.s32 $0x7B0, v9;
	v11 =	vld.idx.msk [tilespmem:v11+s5+$0x0], $0xffff  }
0x4a: {  	v32 =	vld.idx.msk [tilespmem:v25+s5+$0x0], $0xffff;
	[tilespmem:v2+s25+$0x2070 ss:$0x1] =	vst.idx.msk $0xffff, v13;
	v13 =	vadd.s32 $0x7B0, v8  }
0x4b: {  	v27 =	vadd.s32 $0x7B0, v4;
	[tilespmem:v2+s25+$0x1000 ss:$0x1] =	vst.idx.msk $0xffff, v16;
	v15 =	vld.idx.msk [tilespmem:v15+s5+$0x0], $0xffff  }
0x4c: {  	v34 =	vadd.s32 $0x7B0, v3;
	[tilespmem:v2+s25+$0x1010 ss:$0x1] =	vst.idx.msk $0xffff, v18;
	v12 =	vld.idx.msk [tilespmem:v12+s5+$0x0], $0xffff  }
0x4d: {  	v33 =	vadd.s32 $0xF60, v10;
	[tilespmem:v2+s25+$0x1020 ss:$0x1] =	vst.idx.msk $0xffff, v20;
	v21 =	vld.idx.msk [tilespmem:v26+s5+$0x0], $0xffff  }
0x4e: {  	v14 =	vld.idx.msk [tilespmem:v14+s5+$0x0], $0xffff;
	[tilespmem:v2+s25+$0x1030 ss:$0x1] =	vst.idx.msk $0xffff, v11;
	v11 =	vadd.s32 $0x7B0, v5  }
0x4f: {  	v36 =	vadd.s32 $0xB88, v9;
	[tilespmem:v2+s25+$0x1050 ss:$0x1] =	vst.idx.msk $0xffff, v17;
	v13 =	vld.idx.msk [tilespmem:v13+s5+$0x0], $0xffff  }
0x50: {  	[tilespmem:v2+s25+$0x1040 ss:$0x1] =	vst.idx.msk $0xffff, v15;
	v15 =	vadd.s32 $0x7B0, v7;
	v16 =	vld.idx.msk [tilespmem:v27+s5+$0x0], $0xffff  }
0x51: {  	[tilespmem:v2+s25+$0x3070 ss:$0x1] =	vst.idx.msk $0xffff, v12;
	v12 =	vadd.s32 $0xB88, v6;
	v20 =	vld.idx.msk [tilespmem:v34+s5+$0x0], $0xffff  }
0x52: {  	v35 =	vadd.s32 $0xB88, v8;
	[tilespmem:v2+s25+$0x1060 ss:$0x1] =	vst.idx.msk $0xffff, v32;
	v19 =	vld.idx.msk [tilespmem:v33+s5+$0x0], $0xffff  }
0x53: {  	v37 =	vadd.s32 $0x1338, v10;
	[tilespmem:v2+s25+$0x2020 ss:$0x1] =	vst.idx.msk $0xffff, v14;
	v11 =	vld.idx.msk [tilespmem:v11+s5+$0x0], $0xffff  }
0x54: {  	[tilespmem:v2+s25+$0x2000 ss:$0x1] =	vst.idx.msk $0xffff, v21;
	v14 =	vadd.s32 $0xB88, v3;
	v18 =	vld.idx.msk [tilespmem:v36+s5+$0x0], $0xffff  }
0x55: {  	[tilespmem:v2+s25+$0x2010 ss:$0x1] =	vst.idx.msk $0xffff, v13;
	v13 =	vadd.s32 $0xB88, v4;
	v15 =	vld.idx.msk [tilespmem:v15+s5+$0x0], $0xffff  }
0x56: {  	v38 =	vadd.s32 $0xB88, v5;
	[tilespmem:v2+s25+$0x2030 ss:$0x1] =	vst.idx.msk $0xffff, v16;
	v12 =	vld.idx.msk [tilespmem:v12+s5+$0x0], $0xffff  }
0x57: {  	v39 =	vadd.s32 $0xB88, v7;
	v17 =	vld.idx.msk [tilespmem:v35+s5+$0x0], $0xffff;
	[tilespmem:v2+s25+$0x4070 ss:$0x1] =	vst.idx.msk $0xffff, v19  }
0x58: {  	v40 =	vadd.s32 $0xF60, v6;
	[tilespmem:v2+s25+$0x2040 ss:$0x1] =	vst.idx.msk $0xffff, v20;
	v21 =	vld.idx.msk [tilespmem:v37+s5+$0x0], $0xffff  }
0x59: {  	v14 =	vld.idx.msk [tilespmem:v14+s5+$0x0], $0xffff;
	[tilespmem:v2+s25+$0x2050 ss:$0x1] =	vst.idx.msk $0xffff, v11;
	v11 =	vadd.s32 $0xF60, v8  }
0x5a: {  	v42 =	vadd.s32 $0xF60, v3;
	[tilespmem:v2+s25+$0x3020 ss:$0x1] =	vst.idx.msk $0xffff, v18;
	v13 =	vld.idx.msk [tilespmem:v13+s5+$0x0], $0xffff  }
0x5b: {  	[tilespmem:v2+s25+$0x2060 ss:$0x1] =	vst.idx.msk $0xffff, v15;
	v15 =	vadd.s32 $0x1710, v10;
	v16 =	vld.idx.msk [tilespmem:v38+s5+$0x0], $0xffff  }
0x5c: {  	[tilespmem:v2+s25+$0x3000 ss:$0x1] =	vst.idx.msk $0xffff, v12;
	v12 =	vadd.s32 $0xF60, v9;
	v19 =	vld.idx.msk [tilespmem:v39+s5+$0x0], $0xffff  }
0x5d: {  	v41 =	vadd.s32 $0xF60, v4;
	[tilespmem:v2+s25+$0x3010 ss:$0x1] =	vst.idx.msk $0xffff, v17;
	v20 =	vld.idx.msk [tilespmem:v40+s5+$0x0], $0xffff  }
0x5e: {  	v43 =	vadd.s32 $0xF60, v5;
	[tilespmem:v2+s25+$0x3040 ss:$0x1] =	vst.idx.msk $0xffff, v14;
	v11 =	vld.idx.msk [tilespmem:v11+s5+$0x0], $0xffff  }
0x5f: {  	[tilespmem:v2+s25+$0x5070 ss:$0x1] =	vst.idx.msk $0xffff, v21;
	v14 =	vadd.s32 $0x1338, v6;
	v18 =	vld.idx.msk [tilespmem:v42+s5+$0x0], $0xffff  }
0x60: {  	[tilespmem:v2+s25+$0x3030 ss:$0x1] =	vst.idx.msk $0xffff, v13;
	v13 =	vadd.s32 $0xF60, v7;
	v15 =	vld.idx.msk [tilespmem:v15+s5+$0x0], $0xffff  }
0x61: {  	v45 =	vadd.s32 $0x1338, v8;
	[tilespmem:v2+s25+$0x3050 ss:$0x1] =	vst.idx.msk $0xffff, v16;
	v12 =	vld.idx.msk [tilespmem:v12+s5+$0x0], $0xffff  }
0x62: {  	v44 =	vadd.s32 $0x1AE8, v10;
	v17 =	vld.idx.msk [tilespmem:v41+s5+$0x0], $0xffff;
	[tilespmem:v2+s25+$0x3060 ss:$0x1] =	vst.idx.msk $0xffff, v19  }
0x63: {  	v46 =	vadd.s32 $0x1338, v9;
	v21 =	vld.idx.msk [tilespmem:v43+s5+$0x0], $0xffff;
	[tilespmem:v2+s25+$0x4000 ss:$0x1] =	vst.idx.msk $0xffff, v20  }
0x64: {  	v14 =	vld.idx.msk [tilespmem:v14+s5+$0x0], $0xffff;
	[tilespmem:v2+s25+$0x4010 ss:$0x1] =	vst.idx.msk $0xffff, v11;
	v11 =	vadd.s32 $0x1338, v4  }
0x65: {  	v49 =	vadd.s32 $0x1710, v6;
	[tilespmem:v2+s25+$0x4040 ss:$0x1] =	vst.idx.msk $0xffff, v18;
	v13 =	vld.idx.msk [tilespmem:v13+s5+$0x0], $0xffff  }
0x66: {  	[tilespmem:v2+s25+$0x6070 ss:$0x1] =	vst.idx.msk $0xffff, v15;
	v15 =	vadd.s32 $0x1338, v3;
	v19 =	vld.idx.msk [tilespmem:v45+s5+$0x0], $0xffff  }
0x67: {  	[tilespmem:v2+s25+$0x4020 ss:$0x1] =	vst.idx.msk $0xffff, v12;
	v12 =	vadd.s32 $0x1338, v5;
	v16 =	vld.idx.msk [tilespmem:v44+s5+$0x0], $0xffff  }
0x68: {  	v47 =	vadd.s32 $0x1338, v7;
	[tilespmem:v2+s25+$0x4030 ss:$0x1] =	vst.idx.msk $0xffff, v17;
	v20 =	vld.idx.msk [tilespmem:v46+s5+$0x0], $0xffff  }
0x69: {  	v48 =	vadd.s32 $0x1EC0, v10;
	[tilespmem:v2+s25+$0x5000 ss:$0x1] =	vst.idx.msk $0xffff, v14;
	v11 =	vld.idx.msk [tilespmem:v11+s5+$0x0], $0xffff  }
0x6a: {  	[tilespmem:v2+s25+$0x4050 ss:$0x1] =	vst.idx.msk $0xffff, v21;
	v14 =	vadd.s32 $0x1710, v9;
	v21 =	vld.idx.msk [tilespmem:v49+s5+$0x0], $0xffff  }
0x6b: {  	[tilespmem:v2+s25+$0x4060 ss:$0x1] =	vst.idx.msk $0xffff, v13;
	v13 =	vadd.s32 $0x1710, v8;
	v15 =	vld.idx.msk [tilespmem:v15+s5+$0x0], $0xffff  }
0x6c: {  	v50 =	vadd.s32 $0x1710, v4;
	[tilespmem:v2+s25+$0x5010 ss:$0x1] =	vst.idx.msk $0xffff, v19;
	v12 =	vld.idx.msk [tilespmem:v12+s5+$0x0], $0xffff  }
0x6d: {  	v51 =	vadd.s32 $0x1710, v3;
	[tilespmem:v2+s25+$0x7070 ss:$0x1] =	vst.idx.msk $0xffff, v16;
	v17 =	vld.idx.msk [tilespmem:v47+s5+$0x0], $0xffff  }
0x6e: {  	v52 =	vadd.s32 $0x1710, v5;
	v18 =	vld.idx.msk [tilespmem:v48+s5+$0x0], $0xffff;
	[tilespmem:v2+s25+$0x5020 ss:$0x1] =	vst.idx.msk $0xffff, v20  }
0x6f: {  	v10 =	vadd.s32 $0x2298, v10;
	v14 =	vld.idx.msk [tilespmem:v14+s5+$0x0], $0xffff;
	[tilespmem:v2+s25+$0x5030 ss:$0x1] =	vst.idx.msk $0xffff, v11  }
0x70: {  	v55 =	vadd.s32 $0x1AE8, v9;
	[tilespmem:v2+s25+$0x6000 ss:$0x1] =	vst.idx.msk $0xffff, v21;
	v11 =	vld.idx.msk [tilespmem:v13+s5+$0x0], $0xffff  }
0x71: {  	[tilespmem:v2+s25+$0x5040 ss:$0x1] =	vst.idx.msk $0xffff, v15;
	v13 =	vadd.s32 $0x1710, v7;
	v15 =	vld.idx.msk [tilespmem:v50+s5+$0x0], $0xffff  }
0x72: {  	[tilespmem:v2+s25+$0x5050 ss:$0x1] =	vst.idx.msk $0xffff, v12;
	v12 =	vadd.s32 $0x1AE8, v6;
	v54 =	vld.idx.msk [tilespmem:v51+s5+$0x0], $0xffff  }
0x73: {  	v53 =	vadd.s32 $0x1AE8, v8;
	[tilespmem:v2+s25+$0x8070 ss:$0x1] =	vst.idx.msk $0xffff, v18;
	v56 =	vld.idx.msk [tilespmem:v52+s5+$0x0], $0xffff  }
0x74: {  	v57 =	vadd.s32 $0x1AE8, v4;
	v10 =	vld.idx.msk [tilespmem:v10+s5+$0x0], $0xffff;
	[tilespmem:v2+s25+$0x6020 ss:$0x1] =	vst.idx.msk $0xffff, v14  }
0x75: {  	[tilespmem:v2+s25+$0x5060 ss:$0x1] =	vst.idx.msk $0xffff, v17;
	v14 =	vadd.s32 $0x1AE8, v5;
	v18 =	vld.idx.msk [tilespmem:v55+s5+$0x0], $0xffff  }
0x76: {  	[tilespmem:v2+s25+$0x6010 ss:$0x1] =	vst.idx.msk $0xffff, v11;
	v11 =	vadd.s32 $0x1AE8, v3;
	v13 =	vld.idx.msk [tilespmem:v13+s5+$0x0], $0xffff  }
0x77: {  	[tilespmem:v2+s25+$0x6030 ss:$0x1] =	vst.idx.msk $0xffff, v15;
	v15 =	vadd.s32 $0x1AE8, v7;
	v12 =	vld.idx.msk [tilespmem:v12+s5+$0x0], $0xffff  }
0x78: {  	v58 =	vadd.s32 $0x1EC0, v6;
	v16 =	vld.idx.msk [tilespmem:v53+s5+$0x0], $0xffff;
	[tilespmem:v2+s25+$0x6040 ss:$0x1] =	vst.idx.msk $0xffff, v54  }
0x79: {  	v59 =	vadd.s32 $0x1EC0, v8;
	v20 =	vld.idx.msk [tilespmem:v57+s5+$0x0], $0xffff;
	[tilespmem:v2+s25+$0x6050 ss:$0x1] =	vst.idx.msk $0xffff, v56  }
0x7a: {  	[tilespmem:v2+s25+$0x9070 ss:$0x1] =	vst.idx.msk $0xffff, v10;
	v10 =	vadd.s32 $0x1EC0, v9;
	v14 =	vld.idx.msk [tilespmem:v14+s5+$0x0], $0xffff  }
0x7b: {  	v11 =	vld.idx.msk [tilespmem:v11+s5+$0x0], $0xffff;
	[tilespmem:v2+s25+$0x6060 ss:$0x1] =	vst.idx.msk $0xffff, v13;
	v13 =	vadd.s32 $0x1EC0, v4  }
0x7c: {  	v60 =	vadd.s32 $0x1EC0, v5;
	[tilespmem:v2+s25+$0x7000 ss:$0x1] =	vst.idx.msk $0xffff, v12;
	v15 =	vld.idx.msk [tilespmem:v15+s5+$0x0], $0xffff  }
0x7d: {  	v12 =	vadd.s32 $0x1EC0, v3;
	[tilespmem:v2+s25+$0x7010 ss:$0x1] =	vst.idx.msk $0xffff, v16;
	v17 =	vld.idx.msk [tilespmem:v58+s5+$0x0], $0xffff  }
0x7e: {  	v61 =	vadd.s32 $0x1EC0, v7;
	[tilespmem:v2+s25+$0x7020 ss:$0x1] =	vst.idx.msk $0xffff, v18;
	v19 =	vld.idx.msk [tilespmem:v59+s5+$0x0], $0xffff  }
0x7f: {  	v6 =	vadd.s32 $0x2298, v6;
	[tilespmem:v2+s25+$0x7030 ss:$0x1] =	vst.idx.msk $0xffff, v20;
	v10 =	vld.idx.msk [tilespmem:v10+s5+$0x0], $0xffff  }
0x80: {  	v62 =	vadd.s32 $0x2298, v8;
	[tilespmem:v2+s25+$0x7050 ss:$0x1] =	vst.idx.msk $0xffff, v14;
	v63 =	vld.idx.msk [tilespmem:v13+s5+$0x0], $0xffff  }
0x81: {  	v9 =	vadd.s32 $0x2298, v9;
	[tilespmem:v2+s25+$0x7040 ss:$0x1] =	vst.idx.msk $0xffff, v11;
	v11 =	vld.idx.msk [tilespmem:v60+s5+$0x0], $0xffff  }
0x82: {  	v8 =	vadd.s32 $0x2298, v4;
	v12 =	vld.idx.msk [tilespmem:v12+s5+$0x0], $0xffff;
	[tilespmem:v2+s25+$0x7060 ss:$0x1] =	vst.idx.msk $0xffff, v15  }
0x83: {  	[tilespmem:v2+s25+$0x8000 ss:$0x1] =	vst.idx.msk $0xffff, v17;
	v14 =	vld.idx.msk [tilespmem:v61+s5+$0x0], $0xffff  }
0x84: {  	[tilespmem:v2+s25+$0x8010 ss:$0x1] =	vst.idx.msk $0xffff, v19;
	v13 =	vld.idx.msk [tilespmem:v6+s5+$0x0], $0xffff  }
0x85: {  	[tilespmem:v2+s25+$0x8020 ss:$0x1] =	vst.idx.msk $0xffff, v10;
	v10 =	vld.idx.msk [tilespmem:v62+s5+$0x0], $0xffff  }
0x86: {  	s26 =	simm.s32 $0x0;
	s28 =	sadd.s32 $0x1000, s23;
	v5 =	vadd.s32 $0x2298, v5;
	v4 =	vadd.s32 $0x2298, v7;
	v6 =	vadd.s32 $0x2298, v3;
	v3 =	vld.idx.msk [tilespmem:v9+s5+$0x0], $0xffff;
	[tilespmem:v2+s25+$0x8030 ss:$0x1] =	vst.idx.msk $0xffff, v63  }
.LBB2_4:
0x87: {  	s29 =	sshra.s32 s28, $0x2;
	v7 =	vld.idx.msk [tilespmem:v8+s5+$0x0], $0xffff  }
0x88: {  	v8 =	vld.idx.msk [tilespmem:v30+s29+$0x0 ss:$0x1], $0xffff  }
0x89: {  	v9 =	vld.idx.msk [tilespmem:v30+s29+$0xFFFFFF90 ss:$0x1], $0xffff;
	[tilespmem:v2+s25+$0x8040 ss:$0x1] =	vst.idx.msk $0xffff, v12  }
0x8a: {  	[tilespmem:v2+s25+$0x8050 ss:$0x1] =	vst.idx.msk $0xffff, v11;
	v11 =	vld.idx.msk [tilespmem:v1+s29+$0x0 ss:$0x1], $0xffff  }
0x8b: {  	[tilespmem:v2+s25+$0x8060 ss:$0x1] =	vst.idx.msk $0xffff, v14;
	v12 =	vld.idx.msk [tilespmem:v30+s29+$0xFFFFFFA0 ss:$0x1], $0xffff  }
0x8c: {  	[tilespmem:v2+s25+$0x9010 ss:$0x1] =	vst.idx.msk $0xffff, v10;
	v10 =	vld.idx.msk [tilespmem:v30+s29+$0xFFFFFFB0 ss:$0x1], $0xffff  }
0x8d: {  	[tilespmem:v2+s25+$0x9000 ss:$0x1] =	vst.idx.msk $0xffff, v13;
	v13 =	vld.idx.msk [tilespmem:v30+s29+$0xFFFFFFC0 ss:$0x1], $0xffff  }
0x8e: {  	[tilespmem:v2+s25+$0x9030 ss:$0x1] =	vst.idx.msk $0xffff, v7;
	v7 =	vld.idx.msk [tilespmem:v30+s29+$0xFFFFFFD0 ss:$0x1], $0xffff  }
0x8f: {  	v14 =	vld.idx.msk [tilespmem:v30+s29+$0xFFFFFFF0 ss:$0x1], $0xffff  }
0x90: {  	[tilespmem:v2+s25+$0x9020 ss:$0x1] =	vst.idx.msk $0xffff, v3;
	v15 =	vld.idx.msk [tilespmem:v1+s29+$0xFFFFFFA0 ss:$0x1], $0xffff  }
0x91: {  	v16 =	vld.idx.msk [tilespmem:v1+s29+$0xFFFFFFB0 ss:$0x1], $0xffff  }
0x92: {  	v19 =	vld.idx.msk [tilespmem:v1+s29+$0xFFFFFFD0 ss:$0x1], $0xffff  }
0x93: {  	v3 =	vmul.u32 $0x6, v8;
	v17 =	vld.idx.msk [tilespmem:v1+s29+$0xFFFFFFC0 ss:$0x1], $0xffff  }
0x94: {  	v6 =	vld.idx.msk [tilespmem:v6+s5+$0x0], $0xffff  }
0x95: {  	v5 =	vld.idx.msk [tilespmem:v5+s5+$0x0], $0xffff;
	v3 =	vadd.s32 v11, v3;
	v12 =	vmul.u32 $0x6, v12;
	v10 =	vmul.u32 $0x6, v10  }
0x96: {  	v11 =	vld.idx.msk [tilespmem:v1+s29+$0xFFFFFF90 ss:$0x1], $0xffff;
	v13 =	vmul.u32 $0x6, v13  }
0x97: {  	v51 =	vadd.s32 v15, v12;
	v12 =	vld.idx.msk [tilespmem:v1+s29+$0xFFFFFFF0 ss:$0x1], $0xffff;
	v53 =	vadd.s32 v16, v10  }
0x98: {  	v4 =	vld.idx.msk [tilespmem:v4+s5+$0x0], $0xffff;
	v7 =	vmul.u32 $0x6, v7;
	v55 =	vadd.s32 v17, v13  }
0x99: {  	v8 =	vmul.u32 $0x6, v9;
	v9 =	vld.idx.msk [tilespmem:v30+s29+$0xFFFFFFE0 ss:$0x1], $0xffff  }
0x9a: {  	v14 =	vmul.u32 $0x6, v14;
	v57 =	vadd.s32 v19, v7;
	v18 =	vld.idx.msk [tilespmem:v3+s5+$0x0], $0xffff  }
0x9b: {  	v8 =	vadd.s32 v11, v8;
	v11 =	vld.idx.msk [tilespmem:v1+s29+$0xFFFFFFE0 ss:$0x1], $0xffff  }
0x9c: {  	v60 =	vadd.s32 v12, v14;
	v14 =	vld.idx.msk [tilespmem:v53+s5+$0x0], $0xffff  }
0x9d: {  	[tilespmem:v2+s25+$0x9040 ss:$0x1] =	vst.idx.msk $0xffff, v6;
	v6 =	vld.idx.msk [tilespmem:v55+s5+$0x0], $0xffff  }
0x9e: {  	v20 =	vadd.s32 $0x3D8, v3;
	[tilespmem:v2+s25+$0x9060 ss:$0x1] =	vst.idx.msk $0xffff, v4  }
0x9f: {  	v9 =	vmul.u32 $0x6, v9;
	v10 =	vadd.s32 $0x3D8, v53;
	[tilespmem:v2+s25+$0x9050 ss:$0x1] =	vst.idx.msk $0xffff, v5;
	v5 =	vld.idx.msk [tilespmem:v57+s5+$0x0], $0xffff  }
0xa0: {  	v13 =	vadd.s32 $0x3D8, v55;
	s25 =	smov.u32 s29;
	[tilespmem:v2+s29+$0x70 ss:$0x1] =	vst.idx.msk $0xffff, v18  }
0xa1: {  	v26 =	vld.idx.msk [tilespmem:v8+s5+$0x0], $0xffff;
	v59 =	vadd.s32 v11, v9;
	[tilespmem:v2+s25+$0x20 ss:$0x1] =	vst.idx.msk $0xffff, v14  }
0xa2: {  	v9 =	vld.idx.msk [tilespmem:v51+s5+$0x0], $0xffff;
	v27 =	vadd.s32 $0x1AE8, v59;
	[tilespmem:v2+s25+$0x30 ss:$0x1] =	vst.idx.msk $0xffff, v6  }
0xa3: {  	v21 =	vadd.s32 $0x3D8, v8;
	v7 =	vld.idx.msk [tilespmem:v20+s5+$0x0], $0xffff;
	[tilespmem:$0x1FFD0] =	vst v27  }
0xa4: {  	v15 =	vadd.s32 $0x3D8, v51;
	v6 =	vld.idx.msk [tilespmem:v10+s5+$0x0], $0xffff;
	[tilespmem:v2+s25+$0x40 ss:$0x1] =	vst.idx.msk $0xffff, v5;
	v5 =	vadd.s32 $0x1AE8, v8  }
0xa5: {  	v12 =	vadd.s32 $0x7B0, v3;
	[tilespmem:$0x1FFB0] =	vst v5;
	v5 =	vld.idx.msk [tilespmem:v13+s5+$0x0], $0xffff  }
0xa6: {  	v4 =	vld.idx.msk [tilespmem:v59+s5+$0x0], $0xffff;
	[tilespmem:v2+s25+$0x0 ss:$0x1] =	vst.idx.msk $0xffff, v26  }
0xa7: {  	v17 =	vadd.s32 $0x3D8, v57;
	[tilespmem:v2+s25+$0x10 ss:$0x1] =	vst.idx.msk $0xffff, v9  }
0xa8: {  	v52 =	vadd.s32 $0x7B0, v51;
	v54 =	vadd.s32 $0x7B0, v53;
	v11 =	vadd.s32 $0x3D8, v59;
	[tilespmem:v2+s25+$0x1070 ss:$0x1] =	vst.idx.msk $0xffff, v7;
	v18 =	vld.idx.msk [tilespmem:v21+s5+$0x0], $0xffff  }
0xa9: {  	v56 =	vadd.s32 $0x7B0, v55;
	v43 =	vadd.s32 $0xB88, v51;
	v50 =	vadd.s32 $0x7B0, v8;
	v24 =	vld.idx.msk [tilespmem:v15+s5+$0x0], $0xffff;
	[tilespmem:v2+s25+$0x1020 ss:$0x1] =	vst.idx.msk $0xffff, v6  }
0xaa: {  	v40 =	vadd.s32 $0xB88, v53;
	v0 =	vadd.s32 $0xB88, v55;
	v46 =	vadd.s32 $0xF60, v51;
	v7 =	vld.idx.msk [tilespmem:v12+s5+$0x0], $0xffff;
	[tilespmem:v2+s25+$0x1030 ss:$0x1] =	vst.idx.msk $0xffff, v5  }
0xab: {  	v47 =	vadd.s32 $0xF60, v53;
	v38 =	vadd.s32 $0x1338, v51;
	v12 =	vld.idx.msk [tilespmem:v60+s5+$0x0], $0xffff;
	[tilespmem:v2+s25+$0x50 ss:$0x1] =	vst.idx.msk $0xffff, v4;
	v4 =	vadd.s32 $0x1AE8, v55  }
0xac: {  	v35 =	vadd.s32 $0x1338, v53;
	v31 =	vadd.s32 $0x1710, v53;
	v14 =	vadd.s32 $0xB88, v3;
	[tilespmem:$0x1FFC0] =	vst v4;
	v4 =	vld.idx.msk [tilespmem:v17+s5+$0x0], $0xffff  }
0xad: {  	v58 =	vadd.s32 $0x7B0, v57;
	v22 =	vadd.s32 $0xB88, v57;
	v62 =	vadd.s32 $0x3D8, v60;
	[tilespmem:v2+s25+$0x1000 ss:$0x1] =	vst.idx.msk $0xffff, v18;
	v25 =	vld.idx.msk [tilespmem:v11+s5+$0x0], $0xffff  }
0xae: {  	v41 =	vadd.s32 $0xF60, v57;
	v34 =	vadd.s32 $0x1338, v57;
	v19 =	vadd.s32 $0x1710, v57;
	[tilespmem:v2+s25+$0x1010 ss:$0x1] =	vst.idx.msk $0xffff, v24;
	v28 =	vld.idx.msk [tilespmem:v50+s5+$0x0], $0xffff  }
0xaf: {  	v39 =	vadd.s32 $0xB88, v8;
	v61 =	vadd.s32 $0x7B0, v59;
	v6 =	vadd.s32 $0x2298, v57;
	[tilespmem:v2+s25+$0x2070 ss:$0x1] =	vst.idx.msk $0xffff, v7;
	v29 =	vld.idx.msk [tilespmem:v52+s5+$0x0], $0xffff  }
0xb0: {  	v11 =	vadd.s32 $0x1EC0, v57;
	v7 =	vadd.s32 $0x1AE8, v57;
	[tilespmem:v2+s25+$0x60 ss:$0x1] =	vst.idx.msk $0xffff, v12;
	v12 =	vadd.s32 $0x1AE8, v60;
	v57 =	vld.idx.msk [tilespmem:v56+s5+$0x0], $0xffff  }
0xb1: {  	v63 =	vadd.s32 $0x7B0, v60;
	v49 =	vadd.s32 $0xB88, v59;
	v20 =	vadd.s32 $0x1AE8, v51;
	[tilespmem:$0x1FFE0] =	vst v12;
	v17 =	vld.idx.msk [tilespmem:v14+s5+$0x0], $0xffff  }
0xb2: {  	v15 =	vadd.s32 $0x1710, v51;
	v21 =	vadd.s32 $0x1AE8, v53;
	v52 =	vadd.s32 $0x2298, v51;
	v26 =	vld.idx.msk [tilespmem:v62+s5+$0x0], $0xffff;
	[tilespmem:v2+s25+$0x1040 ss:$0x1] =	vst.idx.msk $0xffff, v4  }
0xb3: {  	v12 =	vadd.s32 $0x1EC0, v51;
	v14 =	vadd.s32 $0x1EC0, v53;
	v51 =	vadd.s32 $0x2298, v53;
	v53 =	vld.idx.msk [tilespmem:v54+s5+$0x0], $0xffff;
	[tilespmem:v2+s25+$0x1050 ss:$0x1] =	vst.idx.msk $0xffff, v25  }
0xb4: {  	v44 =	vadd.s32 $0xF60, v59;
	v32 =	vadd.s32 $0x1338, v59;
	v27 =	vadd.s32 $0xF60, v3;
	v58 =	vld.idx.msk [tilespmem:v58+s5+$0x0], $0xffff;
	[tilespmem:v2+s25+$0x2000 ss:$0x1] =	vst.idx.msk $0xffff, v28  }
0xb5: {  	v10 =	vadd.s32 $0x1710, v59;
	v5 =	vadd.s32 $0x2298, v59;
	v62 =	vadd.s32 $0x1EC0, v59;
	v59 =	vld.idx.msk [tilespmem:v61+s5+$0x0], $0xffff;
	[tilespmem:v2+s25+$0x2010 ss:$0x1] =	vst.idx.msk $0xffff, v29  }
0xb6: {  	[tilespmem:v2+s25+$0x2030 ss:$0x1] =	vst.idx.msk $0xffff, v57;
	v29 =	vld.idx.msk [tilespmem:v39+s5+$0x0], $0xffff  }
0xb7: {  	[tilespmem:v2+s25+$0x3070 ss:$0x1] =	vst.idx.msk $0xffff, v17;
	v61 =	vld.idx.msk [tilespmem:v43+s5+$0x0], $0xffff  }
0xb8: {  	[tilespmem:v2+s25+$0x1060 ss:$0x1] =	vst.idx.msk $0xffff, v26;
	v0 =	vld.idx.msk [tilespmem:v0+s5+$0x0], $0xffff  }
0xb9: {  	v48 =	vadd.s32 $0xF60, v8;
	v23 =	vadd.s32 $0xB88, v60;
	[tilespmem:v2+s25+$0x2020 ss:$0x1] =	vst.idx.msk $0xffff, v53;
	v17 =	vld.idx.msk [tilespmem:v27+s5+$0x0], $0xffff  }
0xba: {  	v42 =	vadd.s32 $0xF60, v60;
	v36 =	vadd.s32 $0x1338, v60;
	v13 =	vadd.s32 $0x1710, v60;
	v28 =	vld.idx.msk [tilespmem:v63+s5+$0x0], $0xffff;
	[tilespmem:v2+s25+$0x2040 ss:$0x1] =	vst.idx.msk $0xffff, v58  }
0xbb: {  	v24 =	vadd.s32 $0x1EC0, v60;
	v4 =	vadd.s32 $0x2298, v60;
	v60 =	vadd.s32 $0x1338, v3;
	v40 =	vld.idx.msk [tilespmem:v40+s5+$0x0], $0xffff;
	[tilespmem:v2+s25+$0x2050 ss:$0x1] =	vst.idx.msk $0xffff, v59  }
0xbc: {  	v22 =	vld.idx.msk [tilespmem:v22+s5+$0x0], $0xffff;
	[tilespmem:v2+s25+$0x3000 ss:$0x1] =	vst.idx.msk $0xffff, v29  }
0xbd: {  	v26 =	vld.idx.msk [tilespmem:v49+s5+$0x0], $0xffff;
	[tilespmem:v2+s25+$0x3010 ss:$0x1] =	vst.idx.msk $0xffff, v61  }
0xbe: {  	v45 =	vadd.s32 $0xF60, v55;
	[tilespmem:v2+s25+$0x4070 ss:$0x1] =	vst.idx.msk $0xffff, v17;
	v43 =	vld.idx.msk [tilespmem:v48+s5+$0x0], $0xffff  }
0xbf: {  	[tilespmem:v2+s25+$0x2060 ss:$0x1] =	vst.idx.msk $0xffff, v28;
	v28 =	vld.idx.msk [tilespmem:v46+s5+$0x0], $0xffff  }
0xc0: {  	[tilespmem:$0x1FFF0] =	vst v14;
	v17 =	vld.idx.msk [tilespmem:v60+s5+$0x0], $0xffff  }
0xc1: {  	v63 =	vadd.s32 $0x1710, v3;
	[tilespmem:v2+s25+$0x3020 ss:$0x1] =	vst.idx.msk $0xffff, v40;
	v23 =	vld.idx.msk [tilespmem:v23+s5+$0x0], $0xffff  }
0xc2: {  	v37 =	vadd.s32 $0x1338, v8;
	[tilespmem:v2+s25+$0x3030 ss:$0x1] =	vst.idx.msk $0xffff, v0;
	v46 =	vld.idx.msk [tilespmem:v47+s5+$0x0], $0xffff  }
0xc3: {  	v47 =	vld.idx.msk [tilespmem:v45+s5+$0x0], $0xffff;
	[tilespmem:v2+s25+$0x3040 ss:$0x1] =	vst.idx.msk $0xffff, v22  }
0xc4: {  	[tilespmem:v2+s25+$0x3050 ss:$0x1] =	vst.idx.msk $0xffff, v26;
	v49 =	vld.idx.msk [tilespmem:v41+s5+$0x0], $0xffff  }
0xc5: {  	v53 =	vld.idx.msk [tilespmem:v44+s5+$0x0], $0xffff;
	[tilespmem:v2+s25+$0x5070 ss:$0x1] =	vst.idx.msk $0xffff, v17  }
0xc6: {  	v33 =	vadd.s32 $0x1338, v55;
	v16 =	vadd.s32 $0x1710, v55;
	[tilespmem:v2+s25+$0x4000 ss:$0x1] =	vst.idx.msk $0xffff, v43;
	v0 =	vld.idx.msk [tilespmem:v63+s5+$0x0], $0xffff  }
0xc7: {  	v9 =	vadd.s32 $0x1710, v8;
	v18 =	vadd.s32 $0x1EC0, v8;
	v48 =	vadd.s32 $0x1AE8, v3;
	[tilespmem:v2+s25+$0x4010 ss:$0x1] =	vst.idx.msk $0xffff, v28;
	v28 =	vld.idx.msk [tilespmem:v37+s5+$0x0], $0xffff  }
0xc8: {  	v50 =	vadd.s32 $0x2298, v8;
	v8 =	vadd.s32 $0x2298, v55;
	v14 =	vadd.s32 $0x1EC0, v55;
	[tilespmem:v2+s25+$0x3060 ss:$0x1] =	vst.idx.msk $0xffff, v23;
	v55 =	vld.idx.msk [tilespmem:v38+s5+$0x0], $0xffff  }
0xc9: {  	[tilespmem:v2+s25+$0x4020 ss:$0x1] =	vst.idx.msk $0xffff, v46;
	v54 =	vld.idx.msk [tilespmem:v42+s5+$0x0], $0xffff  }
0xca: {  	[tilespmem:v2+s25+$0x4030 ss:$0x1] =	vst.idx.msk $0xffff, v47;
	v56 =	vld.idx.msk [tilespmem:v35+s5+$0x0], $0xffff  }
0xcb: {  	v58 =	vld.idx.msk [tilespmem:v33+s5+$0x0], $0xffff;
	[tilespmem:v2+s25+$0x6070 ss:$0x1] =	vst.idx.msk $0xffff, v0  }
0xcc: {  	v0 =	vld.idx.msk [tilespmem:v48+s5+$0x0], $0xffff  }
0xcd: {  	v57 =	vadd.s32 $0x1EC0, v3;
	v63 =	vld [tilespmem:$0x1FFC0];
	[tilespmem:v2+s25+$0x4040 ss:$0x1] =	vst.idx.msk $0xffff, v49  }
0xce: {  	[tilespmem:v2+s25+$0x4050 ss:$0x1] =	vst.idx.msk $0xffff, v53;
	v59 =	vld.idx.msk [tilespmem:v34+s5+$0x0], $0xffff  }
0xcf: {  	[tilespmem:v2+s25+$0x5000 ss:$0x1] =	vst.idx.msk $0xffff, v28;
	v60 =	vld.idx.msk [tilespmem:v32+s5+$0x0], $0xffff  }
0xd0: {  	[tilespmem:v2+s25+$0x5010 ss:$0x1] =	vst.idx.msk $0xffff, v55;
	v9 =	vld.idx.msk [tilespmem:v9+s5+$0x0], $0xffff  }
0xd1: {  	v15 =	vld.idx.msk [tilespmem:v15+s5+$0x0], $0xffff;
	[tilespmem:v2+s25+$0x7070 ss:$0x1] =	vst.idx.msk $0xffff, v0  }
0xd2: {  	[tilespmem:v2+s25+$0x4060 ss:$0x1] =	vst.idx.msk $0xffff, v54;
	v0 =	vld.idx.msk [tilespmem:v57+s5+$0x0], $0xffff  }
0xd3: {  	v3 =	vadd.s32 $0x2298, v3;
	[tilespmem:v2+s25+$0x5020 ss:$0x1] =	vst.idx.msk $0xffff, v56;
	v28 =	vld.idx.msk [tilespmem:v36+s5+$0x0], $0xffff  }
0xd4: {  	[tilespmem:v2+s25+$0x5030 ss:$0x1] =	vst.idx.msk $0xffff, v58;
	v61 =	vld.idx.msk [tilespmem:v31+s5+$0x0], $0xffff  }
0xd5: {  	[tilespmem:v2+s25+$0x6000 ss:$0x1] =	vst.idx.msk $0xffff, v9;
	v9 =	vld [tilespmem:$0x1FFB0]  }
0xd6: {  	v16 =	vld.idx.msk [tilespmem:v16+s5+$0x0], $0xffff;
	[tilespmem:v2+s25+$0x5040 ss:$0x1] =	vst.idx.msk $0xffff, v59  }
0xd7: {  	v19 =	vld.idx.msk [tilespmem:v19+s5+$0x0], $0xffff;
	[tilespmem:v2+s25+$0x8070 ss:$0x1] =	vst.idx.msk $0xffff, v0  }
0xd8: {  	[tilespmem:v2+s25+$0x5060 ss:$0x1] =	vst.idx.msk $0xffff, v28;
	v0 =	vld.idx.msk [tilespmem:v3+s5+$0x0], $0xffff  }
0xd9: {  	[tilespmem:v2+s25+$0x6010 ss:$0x1] =	vst.idx.msk $0xffff, v15;
	v3 =	vld.idx.msk [tilespmem:v13+s5+$0x0], $0xffff  }
0xda: {  	[tilespmem:v2+s25+$0x5050 ss:$0x1] =	vst.idx.msk $0xffff, v60;
	v13 =	vld.idx.msk [tilespmem:v20+s5+$0x0], $0xffff  }
0xdb: {  	v10 =	vld.idx.msk [tilespmem:v10+s5+$0x0], $0xffff;
	[tilespmem:v2+s25+$0x6030 ss:$0x1] =	vst.idx.msk $0xffff, v16  }
0xdc: {  	v16 =	vld.idx.msk [tilespmem:v63+s5+$0x0], $0xffff  }
0xdd: {  	v9 =	vld.idx.msk [tilespmem:v9+s5+$0x0], $0xffff;
	[tilespmem:v2+s25+$0x9070 ss:$0x1] =	vst.idx.msk $0xffff, v0  }
0xde: {  	v0 =	vld [tilespmem:$0x1FFD0];
	[tilespmem:v2+s25+$0x6060 ss:$0x1] =	vst.idx.msk $0xffff, v3  }
0xdf: {  	v3 =	vld [tilespmem:$0x1FFE0];
	[tilespmem:v2+s25+$0x7010 ss:$0x1] =	vst.idx.msk $0xffff, v13  }
0xe0: {  	[tilespmem:v2+s25+$0x6050 ss:$0x1] =	vst.idx.msk $0xffff, v10;
	v10 =	vld.idx.msk [tilespmem:v12+s5+$0x0], $0xffff  }
0xe1: {  	v12 =	vld [tilespmem:$0x1FFF0]  }
0xe2: {  	[tilespmem:v2+s25+$0x6020 ss:$0x1] =	vst.idx.msk $0xffff, v61  }
0xe3: {  	v15 =	vld.idx.msk [tilespmem:v21+s5+$0x0], $0xffff;
	[tilespmem:v2+s25+$0x7000 ss:$0x1] =	vst.idx.msk $0xffff, v9  }
0xe4: {  	[tilespmem:v2+s25+$0x6040 ss:$0x1] =	vst.idx.msk $0xffff, v19;
	v9 =	vld.idx.msk [tilespmem:v18+s5+$0x0], $0xffff  }
0xe5: {  	v7 =	vld.idx.msk [tilespmem:v7+s5+$0x0], $0xffff;
	[tilespmem:v2+s25+$0x7030 ss:$0x1] =	vst.idx.msk $0xffff, v16  }
0xe6: {  	v16 =	vld.idx.msk [tilespmem:v14+s5+$0x0], $0xffff  }
0xe7: {  	v0 =	vld.idx.msk [tilespmem:v0+s5+$0x0], $0xffff  }
0xe8: {  	[tilespmem:v2+s25+$0x7020 ss:$0x1] =	vst.idx.msk $0xffff, v15;
	v3 =	vld.idx.msk [tilespmem:v3+s5+$0x0], $0xffff  }
0xe9: {  	s26 =	sadd.s32 $0x8, s26;
	[tilespmem:v2+s25+$0x8000 ss:$0x1] =	vst.idx.msk $0xffff, v9;
	v15 =	vld.idx.msk [tilespmem:v12+s5+$0x0], $0xffff  }
0xea: {  	p1 =	slt.u32 s26, $0x18;
	[tilespmem:v2+s25+$0x8010 ss:$0x1] =	vst.idx.msk $0xffff, v10;
	v13 =	vld.idx.msk [tilespmem:v50+s5+$0x0], $0xffff  }
.Ltmp0:
0xeb: {  	[tilespmem:v2+s25+$0x7040 ss:$0x1] =	vst.idx.msk $0xffff, v7;
	v10 =	vld.idx.msk [tilespmem:v52+s5+$0x0], $0xffff;
	(pc) =	sbr.rel @p1 .LBB2_4-.Ltmp0, $4  }
0xec: {  	v12 =	vld.idx.msk [tilespmem:v11+s5+$0x0], $0xffff;
	[tilespmem:v2+s25+$0x7050 ss:$0x1] =	vst.idx.msk $0xffff, v0  }
0xed: {  	[tilespmem:v2+s25+$0x7060 ss:$0x1] =	vst.idx.msk $0xffff, v3;
	v11 =	vld.idx.msk [tilespmem:v62+s5+$0x0], $0xffff  }
0xee: {  	v14 =	vld.idx.msk [tilespmem:v24+s5+$0x0], $0xffff;
	[tilespmem:v2+s25+$0x8020 ss:$0x1] =	vst.idx.msk $0xffff, v15  }
0xef: {  	s28 =	sadd.s32 $0x1000, s28;
	[tilespmem:v2+s25+$0x8030 ss:$0x1] =	vst.idx.msk $0xffff, v16;
	v3 =	vld.idx.msk [tilespmem:v51+s5+$0x0], $0xffff  }
0xf0: {  	_ =	sdelay $0x3  }
0xf1: {  	[tilespmem:v2+s25+$0x9000 ss:$0x1] =	vst.idx.msk $0xffff, v13  }
0xf2: {  	v0 =	vld.idx.msk [tilespmem:v8+s5+$0x0], $0xffff;
	[tilespmem:v2+s25+$0x8040 ss:$0x1] =	vst.idx.msk $0xffff, v12  }
0xf3: {  	[tilespmem:v2+s25+$0x8050 ss:$0x1] =	vst.idx.msk $0xffff, v11;
	v6 =	vld.idx.msk [tilespmem:v6+s5+$0x0], $0xffff  }
0xf4: {  	s24 =	sadd.s32 $0x1, s24;
	[tilespmem:v2+s25+$0x8060 ss:$0x1] =	vst.idx.msk $0xffff, v14;
	v5 =	vld.idx.msk [tilespmem:v5+s5+$0x0], $0xffff  }
0xf5: {  	[tilespmem:v2+s25+$0x9010 ss:$0x1] =	vst.idx.msk $0xffff, v10;
	p1 =	sne.s32 s24, $0x8;
	v4 =	vld.idx.msk [tilespmem:v4+s5+$0x0], $0xffff  }
.Ltmp1:
0xf6: {  	[tilespmem:v2+s25+$0x9020 ss:$0x1] =	vst.idx.msk $0xffff, v3;
	(pc) =	sbr.rel @p1 .LBB2_3-.Ltmp1, $4  }
0xf7: {  	[tilespmem:v2+s25+$0x9030 ss:$0x1] =	vst.idx.msk $0xffff, v0  }
0xf8: {  	[tilespmem:v2+s25+$0x9040 ss:$0x1] =	vst.idx.msk $0xffff, v6  }
0xf9: {  	[tilespmem:v2+s25+$0x9050 ss:$0x1] =	vst.idx.msk $0xffff, v5  }
0xfa: {  	s23 =	sadd.s32 $0x200, s23;
	[tilespmem:v2+s25+$0x9060 ss:$0x1] =	vst.idx.msk $0xffff, v4  }
0xfb: {  	p1 =	sne.s32 s19, $0x19  }
.Ltmp2:
0xfc: {  	_ = 	snop;
	(pc) =	sbr.rel @p1 .LBB2_2-.Ltmp2, $4  }
0xfd: {  	_ = 	snop  }
0xfe: {  	s21 =	sshll.u32 s21, $0x9  }
0xff: {  	s20 =	sadd.s32 $0x5, s20;
	p0 =	por !p0, !p0;
	s21 =	sadd.s32 s4, s21  }
0x100: {  	[hbm4b:s21+s14] =	stream.strided.scatter [tilespmem:s22], [sflag:s20], $0xA000, s15, s14, $0x38;
	[tilespmem:$0x1A680] =	vst v63  }
0x101: {  	s18 =	sadd.s32 $0x1, s18  }
0x102: {  	_ =	swait.ge [sflag:s16], $0xA000;
	p0 =	sne.s32 s18, s10  }
.Ltmp3:
0x103: {  	[sflag:s16] =	ssyncset.done $0x0;
	(pc) =	sbr.rel @p0 .LBB2_1-.Ltmp3, $4  }
0x104: {  	[sflag:s16] =	ssyncadd.s32 $0xFFFF6000  }
0x105: {  	_ =	swait.ge [sflag:s17], $0xA000  }
0x106: {  	[sflag:s17] =	ssyncset.done $0x0  }
0x107: {  	[sflag:s17] =	ssyncadd.s32 $0xFFFF6000  }
0x108: {  	_ =	sfence.sel $0x180000  }
0x109: {  	[bflag:$0x0] =	sbarrier.arrive $0xFFFF  }
0x10a: {  	p0 =	sne.s32 s1, $0x0;
	_ =	strace $0x90000047  }
0x10b: {  	s0 =	sadd.s32 @!p0 $0x100000, s0;
	[bflag:$0x2] =	sbarrier.arrive $0xFFFF  }
0x10c: {  	[sflag:s0] =	ssyncadd.tile.s32 @!p0 $0x1;
	_ =	shalt  }
.Lfunc_end2:
_tile_overlayer_lowered:
.L_overlay_start_2:
0x10d: {  	(tag) =	ssettag $0x2  }
0x10e: {  	s0 =	rddreg [dreg:$0x0];
	s2 =	stileid.u32  }
0x10f: {  	s1 =	rddreg [dreg:$0x1];
	p0 =	sne.s32 s2, $0x0  }
0x110: {  	s3 =	rddreg [dreg:$0x2];
	[bflag:$0x3] =	sbarrier.arrive $0xFFFF;
	s2 =	simm.s32 @!p0 $0x1C07  }
0x111: {  	[timem:s3], [sflag:s2] =	dma.local @!p0 [hbm:s0], s1  }
0x112: {  	s0 =	simm.s32 @!p0 $0x7  }
0x113: {  	_ =	swait.ge @!p0 [sflag:s0], s1  }
0x114: {  	s1 =	ssub.s32 @!p0 $0x0, s1;
	[sflag:s0] =	ssyncset.done @!p0 $0x0  }
0x115: {  	[sflag:s0] =	ssyncadd.s32 @!p0 s1  }
0x116: {  	[bflag:$0x3] =	sbarrier.arrive $0xFFFF  }
0x117: {  	_ =	shalt  }

</sc_bundles>
